<compile_context>
chip_gen: v7x
topology: tpu7x:2x2x1
jax: 0.10.2.dev20260603
libtpu: 0.0.44.dev20260713+nightly
codegen_flags: <defaults>
</compile_context>

<pallas_src>
import functools

import jax
import jax.numpy as jnp
from jax import lax
from jax.experimental import pallas as pl
from jax.experimental.pallas import tpu as pltpu
from jax.experimental.pallas import tpu_sc as plsc

B, C, H, W = 16, 256, 32, 32
HW = H * W
N_TOK = B * HW
N_EMB = 8192
E_TILE = 2048
N_ETILES = N_EMB // E_TILE
COMMITMENT_COST = 0.25

NC = 2
NS = 16
NW = NC * NS
TOK_PER_W = N_TOK // NW
GCHUNK = 128
NCH = TOK_PER_W // GCHUNK


def _argmin_body(x_ref, emb_ref, idx_ref, x2_ref, mval_ref, midx_ref):
    e = pl.program_id(1)
    xb = x_ref[0]

    @pl.when(e == 0)
    def _():
        x2_ref[...] = jnp.sum(xb * xb, axis=0, keepdims=True)

    emb = emb_ref[...]
    mm = lax.dot_general(emb.astype(jnp.bfloat16), xb.astype(jnp.bfloat16),
                         (((1,), (0,)), ((), ())),
                         preferred_element_type=jnp.float32)
    e2 = jnp.sum(emb * emb, axis=1, keepdims=True)
    d = (x2_ref[...] + e2) - 2.0 * mm

    tmin = jnp.min(d, axis=0, keepdims=True)
    rows = lax.broadcasted_iota(jnp.int32, (E_TILE, HW), 0)
    targ = jnp.min(jnp.where(d == tmin, rows, N_EMB), axis=0, keepdims=True)
    targ = targ + e * E_TILE

    @pl.when(e == 0)
    def _():
        mval_ref[...] = tmin.astype(jnp.bfloat16).astype(jnp.float32)
        midx_ref[...] = targ

    @pl.when(e > 0)
    def _():
        better = tmin < mval_ref[...]
        mval_ref[...] = jnp.where(
            better, tmin, mval_ref[...]).astype(jnp.bfloat16).astype(jnp.float32)
        midx_ref[...] = jnp.where(better, targ, midx_ref[...])

    @pl.when(e == N_ETILES - 1)
    def _():
        idx_ref[0] = midx_ref[...]


def _argmin_call(x3, emb):
    return pl.pallas_call(
        _argmin_body,
        grid=(B, N_ETILES),
        in_specs=[
            pl.BlockSpec((1, C, HW), lambda b, e: (b, 0, 0)),
            pl.BlockSpec((E_TILE, C), lambda b, e: (e, 0)),
        ],
        out_specs=pl.BlockSpec((1, 1, HW), lambda b, e: (b, 0, 0)),
        out_shape=jax.ShapeDtypeStruct((B, 1, HW), jnp.int32),
        scratch_shapes=[
            pltpu.VMEM((1, HW), jnp.float32),
            pltpu.VMEM((1, HW), jnp.float32),
            pltpu.VMEM((1, HW), jnp.int32),
        ],
        compiler_params=pltpu.CompilerParams(
            dimension_semantics=("arbitrary", "arbitrary")),
    )(x3, emb)


def _sc_body(emb_hbm, idx_hbm, zeros_hbm,
             q_hbm, counts_hbm,
             idx_v, rows_v, counts_v, sem):
    c = lax.axis_index("c")
    s = lax.axis_index("s")
    wid = s * NC + c
    base = wid * TOK_PER_W

    pltpu.sync_copy(idx_hbm.at[pl.ds(base, TOK_PER_W)], idx_v)
    pltpu.sync_copy(zeros_hbm, counts_v)

    for j in range(NCH):
        idx_slice = idx_v.at[pl.ds(j * GCHUNK, GCHUNK)]
        pltpu.async_copy(emb_hbm.at[idx_slice], rows_v, sem).wait()
        pltpu.sync_copy(rows_v, q_hbm.at[pl.ds(base + j * GCHUNK, GCHUNK)])

    ones16 = jnp.full((16,), 1, jnp.int32)

    def hist_step(i, carry):
        v = idx_v[pl.ds(i * 16, 16)]
        plsc.addupdate_scatter(counts_v, [v], ones16)
        return carry

    lax.fori_loop(0, TOK_PER_W // 16, hist_step, 0)
    pltpu.sync_copy(counts_v, counts_hbm.at[wid])


def _sc_call(emb, idx_flat, zeros_z):
    mesh = plsc.VectorSubcoreMesh(core_axis_name="c", subcore_axis_name="s")
    f = pl.kernel(
        _sc_body,
        out_type=[
            jax.ShapeDtypeStruct((N_TOK, C), jnp.float32),
            jax.ShapeDtypeStruct((NW, N_EMB), jnp.int32),
        ],
        mesh=mesh,
        scratch_types=[
            pltpu.VMEM((TOK_PER_W,), jnp.int32),
            pltpu.VMEM((GCHUNK, C), jnp.float32),
            pltpu.VMEM((N_EMB,), jnp.int32),
            pltpu.SemaphoreType.DMA,
        ],
        compiler_params=pltpu.CompilerParams(needs_layout_passes=False),
    )
    return f(emb, idx_flat, zeros_z)


def _finalize_body(q_ref, x_ref, counts_ref, loss_ref, out_ref, perp_ref,
                   acc_ref):
    b = pl.program_id(0)
    qb = q_ref[0]
    xb = x_ref[0]
    qt = qb.T
    diff = qt - xb
    out_ref[0] = xb + diff

    @pl.when(b == 0)
    def _():
        acc_ref[0, 0] = 0.0

    acc_ref[0, 0] += jnp.sum(diff * diff)

    @pl.when(b == B - 1)
    def _():
        loss = (COMMITMENT_COST / (N_TOK * C)) * acc_ref[0, 0]
        loss_ref[...] = jnp.reshape(loss, (1, 1))
        cnt = counts_ref[...].astype(jnp.float32)
        tot = jnp.sum(cnt, axis=0, keepdims=True)
        p = tot * (1.0 / N_TOK)
        ent = jnp.sum(p * jnp.log(p + 1e-10))
        perp_ref[...] = jnp.reshape(jnp.exp(-ent), (1, 1))


def _finalize_call(q3, x3, counts):
    return pl.pallas_call(
        _finalize_body,
        grid=(B,),
        in_specs=[
            pl.BlockSpec((1, HW, C), lambda b: (b, 0, 0)),
            pl.BlockSpec((1, C, HW), lambda b: (b, 0, 0)),
            pl.BlockSpec((NW, N_EMB), lambda b: (0, 0)),
        ],
        out_specs=[
            pl.BlockSpec((1, 1), lambda b: (0, 0)),
            pl.BlockSpec((1, C, HW), lambda b: (b, 0, 0)),
            pl.BlockSpec((1, 1), lambda b: (0, 0)),
        ],
        out_shape=[
            jax.ShapeDtypeStruct((1, 1), jnp.float32),
            jax.ShapeDtypeStruct((B, C, HW), jnp.float32),
            jax.ShapeDtypeStruct((1, 1), jnp.float32),
        ],
        scratch_shapes=[pltpu.SMEM((1, 1), jnp.float32)],
        compiler_params=pltpu.CompilerParams(
            dimension_semantics=("arbitrary",)),
    )(q3, x3, counts)


def kernel(inputs, embedding):
    x3 = inputs.reshape(B, C, HW)
    idx2d = _argmin_call(x3, embedding)

    zeros_z = jnp.zeros((N_EMB,), jnp.int32)
    q, counts = _sc_call(embedding, idx2d.reshape(N_TOK), zeros_z)

    loss11, qout, perp11 = _finalize_call(q.reshape(B, HW, C), x3, counts)

    return (loss11.reshape(()), qout.reshape(B, C, H, W),
            perp11.reshape(()), idx2d.reshape(B, H, W))

# --- scband reference (transcript-rebuilt; emitter-appended) ---
"""Pipeline reference for scband-vector-quantizer-ema-678604832942 (READ-ONLY COPY).

The authoritative reference and input builder live on the scoring server;
editing this copy changes nothing except your own understanding.
"""

import jax, jax.numpy as jnp
import numpy as np

NUM_EMBEDDINGS = 8192
EMBEDDING_DIM = 256
COMMITMENT_COST = 0.25

def setup_inputs(seed: int = 0) -> dict:
    key = jax.random.key(seed)
    k1, k2 = jax.random.split(key)
    inputs = jax.random.normal(k1, (16, 256, 32, 32), dtype=jnp.float32)
    embedding = jax.random.normal(k2, (NUM_EMBEDDINGS, EMBEDDING_DIM), dtype=jnp.float32)
    return {"inputs": inputs, "embedding": embedding}

def reference(inputs, embedding):
    # permute BCHW -> BHWC
    x = jnp.transpose(inputs, (0, 2, 3, 1))
    input_shape = x.shape
    flat_input = x.reshape(-1, EMBEDDING_DIM)
    # squared L2 distances to codebook
    distances = (jnp.sum(flat_input ** 2, axis=1, keepdims=True)
                 + jnp.sum(embedding ** 2, axis=1)
                 - 2.0 * jnp.matmul(flat_input, embedding.T))
    encoding_indices = jnp.argmin(distances, axis=1)
    n = flat_input.shape[0]
    encodings = jnp.zeros((n, NUM_EMBEDDINGS), dtype=jnp.float32).at[jnp.arange(n), encoding_indices].set(1.0)
    quantized = jnp.matmul(encodings, embedding).reshape(input_shape)
    # eval mode: no EMA updates
    e_latent_loss = jnp.mean((jax.lax.stop_gradient(quantized) - x) ** 2)
    loss = COMMITMENT_COST * e_latent_loss
    quantized_st = x + jax.lax.stop_gradient(quantized - x)
    avg_probs = jnp.mean(encodings, axis=0)
    perplexity = jnp.exp(-jnp.sum(avg_probs * jnp.log(avg_probs + 1e-10)))
    quantized_out = jnp.transpose(quantized_st, (0, 3, 1, 2))
    idx_out = encoding_indices.reshape(input_shape[0], input_shape[1], input_shape[2])
    return (loss, quantized_out, perplexity, idx_out)

if __name__ == "__main__":
    import jax
    _d = setup_inputs()
    print(jax.jit(kernel)(*tuple(_d.values())))

</pallas_src>

<mosaic_0001>
#map = affine_map<(d0, d1) -> (0, 0)>
#map1 = affine_map<(d0, d1) -> (0)>
module attributes {stable_mosaic.version = 14 : i64} {
  func.func @_sc_body(%arg0: i32, %arg1: i32, %arg2: memref<8192x256xf32, #tpu.memory_space<hbm>>, %arg3: memref<16384xi32, #tpu.memory_space<hbm>>, %arg4: memref<8192xi32, #tpu.memory_space<hbm>>, %arg5: memref<16384x256xf32, #tpu.memory_space<hbm>>, %arg6: memref<32x8192xi32, #tpu.memory_space<hbm>>, %arg7: memref<512xi32, #tpu.memory_space<vmem>>, %arg8: memref<128x256xf32, #tpu.memory_space<vmem>>, %arg9: memref<8192xi32, #tpu.memory_space<vmem>>, %arg10: memref<!tpu.dma_semaphore, #tpu.memory_space<semaphore_mem>>) attributes {dimension_semantics = [#tpu.dimension_semantics<core_parallel>, #tpu.dimension_semantics<subcore_parallel>], iteration_bounds = array<i64: 2, 16>, scalar_prefetch = 0 : i64, scratch_operands = 4 : i64, tpu.core_type = #tpu.core_type<sc_vector_subcore>, window_params = [{transform_indices = #map}, {transform_indices = #map1}, {transform_indices = #map1}, {transform_indices = #map}, {transform_indices = #map}]} {
    %mul3A = arith.constant 2 : i32
    %mul3A_0 = arith.muli %arg1, %mul3A : i32
    %add3A = arith.addi %mul3A_0, %arg0 : i32
    %mul3A_1 = arith.constant 512 : i32
    %mul3A_2 = arith.muli %add3A, %mul3A_1 : i32
    "tpu.region"() ({
      %run_scoped3A = tpu.sem_alloc : memref<!tpu.dma_semaphore, #tpu.memory_space<semaphore_mem>>
      %dma_start3A_55 = tpu.memref_slice %arg3[%mul3A_2] : memref<16384xi32, #tpu.memory_space<hbm>> -> memref<512xi32, #tpu.memory_space<hbm>>
      %dma_start3A_56 = tpu.memref_slice %arg3[%mul3A_2] : memref<16384xi32, #tpu.memory_space<hbm>> -> memref<512xi32, #tpu.memory_space<hbm>>
      tpu.enqueue_dma source(%dma_start3A_56 : memref<512xi32, #tpu.memory_space<hbm>>) target(%arg7 : memref<512xi32, #tpu.memory_space<vmem>>) target_semaphore(%run_scoped3A : memref<!tpu.dma_semaphore, #tpu.memory_space<semaphore_mem>>)
      %dma_wait3A_57 = tpu.memref_slice %arg3[%mul3A_2] : memref<16384xi32, #tpu.memory_space<hbm>> -> memref<512xi32, #tpu.memory_space<hbm>>
      %dma_wait3A_58 = tpu.memref_slice %arg3[%mul3A_2] : memref<16384xi32, #tpu.memory_space<hbm>> -> memref<512xi32, #tpu.memory_space<hbm>>
      tpu.wait_dma2 semaphore(%run_scoped3A : memref<!tpu.dma_semaphore, #tpu.memory_space<semaphore_mem>>) src(%dma_wait3A_58 : memref<512xi32, #tpu.memory_space<hbm>>) dst(%arg7 : memref<512xi32, #tpu.memory_space<vmem>>)
      tpu.yield
    }) : () -> ()
    "tpu.region"() ({
      %run_scoped3A = tpu.sem_alloc : memref<!tpu.dma_semaphore, #tpu.memory_space<semaphore_mem>>
      tpu.enqueue_dma source(%arg4 : memref<8192xi32, #tpu.memory_space<hbm>>) target(%arg9 : memref<8192xi32, #tpu.memory_space<vmem>>) target_semaphore(%run_scoped3A : memref<!tpu.dma_semaphore, #tpu.memory_space<semaphore_mem>>)
      tpu.wait_dma2 semaphore(%run_scoped3A : memref<!tpu.dma_semaphore, #tpu.memory_space<semaphore_mem>>) src(%arg4 : memref<8192xi32, #tpu.memory_space<hbm>>) dst(%arg9 : memref<8192xi32, #tpu.memory_space<vmem>>)
      tpu.yield
    }) : () -> ()
    %dma_start3A = arith.constant 0 : i32
    %dma_start3A_3 = tpu.memref_slice %arg7[%dma_start3A] : memref<512xi32, #tpu.memory_space<vmem>> -> memref<128xi32, #tpu.memory_space<vmem>>
    %dma_start3A_4 = arith.constant 0 : i32
    %dma_start3A_5 = arith.constant 0 : i32
    %dma_start3A_6 = tpu.memref_slice %arg2[%dma_start3A_4, %dma_start3A_5] : memref<8192x256xf32, #tpu.memory_space<hbm>> -> memref<8192x256xf32, #tpu.memory_space<hbm>>
    tpu.enqueue_indirect_dma source(%dma_start3A_6 : memref<8192x256xf32, #tpu.memory_space<hbm>>) target(%arg8 : memref<128x256xf32, #tpu.memory_space<vmem>>) offsets(%dma_start3A_3 : memref<128xi32, #tpu.memory_space<vmem>>) semaphore(%arg10 : memref<!tpu.dma_semaphore, #tpu.memory_space<semaphore_mem>>)
    %dma_wait3A = arith.constant 0 : i32
    %dma_wait3A_7 = tpu.memref_slice %arg7[%dma_wait3A] : memref<512xi32, #tpu.memory_space<vmem>> -> memref<128xi32, #tpu.memory_space<vmem>>
    %dma_wait3A_8 = arith.constant 0 : i32
    %dma_wait3A_9 = arith.constant 0 : i32
    %dma_wait3A_10 = tpu.memref_slice %arg2[%dma_wait3A_8, %dma_wait3A_9] : memref<8192x256xf32, #tpu.memory_space<hbm>> -> memref<8192x256xf32, #tpu.memory_space<hbm>>
    tpu.wait_indirect_dma semaphore(%arg10 : memref<!tpu.dma_semaphore, #tpu.memory_space<semaphore_mem>>) src(%dma_wait3A_10 : memref<8192x256xf32, #tpu.memory_space<hbm>>) dst(%arg8 : memref<128x256xf32, #tpu.memory_space<vmem>>)
    %add3A_11 = arith.constant 0 : i32
    %add3A_12 = arith.addi %mul3A_2, %add3A_11 : i32
    "tpu.region"() ({
      %run_scoped3A = tpu.sem_alloc : memref<!tpu.dma_semaphore, #tpu.memory_space<semaphore_mem>>
      %dma_start3A_55 = arith.constant 0 : i32
      %dma_start3A_56 = tpu.memref_slice %arg5[%add3A_12, %dma_start3A_55] : memref<16384x256xf32, #tpu.memory_space<hbm>> -> memref<128x256xf32, #tpu.memory_space<hbm>>
      %dma_start3A_57 = arith.constant 0 : i32
      %dma_start3A_58 = tpu.memref_slice %arg5[%add3A_12, %dma_start3A_57] : memref<16384x256xf32, #tpu.memory_space<hbm>> -> memref<128x256xf32, #tpu.memory_space<hbm>>
      tpu.enqueue_dma source(%arg8 : memref<128x256xf32, #tpu.memory_space<vmem>>) target(%dma_start3A_58 : memref<128x256xf32, #tpu.memory_space<hbm>>) target_semaphore(%run_scoped3A : memref<!tpu.dma_semaphore, #tpu.memory_space<semaphore_mem>>)
      %dma_wait3A_59 = arith.constant 0 : i32
      %dma_wait3A_60 = tpu.memref_slice %arg5[%add3A_12, %dma_wait3A_59] : memref<16384x256xf32, #tpu.memory_space<hbm>> -> memref<128x256xf32, #tpu.memory_space<hbm>>
      %dma_wait3A_61 = arith.constant 0 : i32
      %dma_wait3A_62 = tpu.memref_slice %arg5[%add3A_12, %dma_wait3A_61] : memref<16384x256xf32, #tpu.memory_space<hbm>> -> memref<128x256xf32, #tpu.memory_space<hbm>>
      tpu.wait_dma2 semaphore(%run_scoped3A : memref<!tpu.dma_semaphore, #tpu.memory_space<semaphore_mem>>) src(%arg8 : memref<128x256xf32, #tpu.memory_space<vmem>>) dst(%dma_wait3A_62 : memref<128x256xf32, #tpu.memory_space<hbm>>)
      tpu.yield
    }) : () -> ()
    %dma_start3A_13 = arith.constant 128 : i32
    %dma_start3A_14 = tpu.memref_slice %arg7[%dma_start3A_13] : memref<512xi32, #tpu.memory_space<vmem>> -> memref<128xi32, #tpu.memory_space<vmem>>
    %dma_start3A_15 = arith.constant 0 : i32
    %dma_start3A_16 = arith.constant 0 : i32
    %dma_start3A_17 = tpu.memref_slice %arg2[%dma_start3A_15, %dma_start3A_16] : memref<8192x256xf32, #tpu.memory_space<hbm>> -> memref<8192x256xf32, #tpu.memory_space<hbm>>
    tpu.enqueue_indirect_dma source(%dma_start3A_17 : memref<8192x256xf32, #tpu.memory_space<hbm>>) target(%arg8 : memref<128x256xf32, #tpu.memory_space<vmem>>) offsets(%dma_start3A_14 : memref<128xi32, #tpu.memory_space<vmem>>) semaphore(%arg10 : memref<!tpu.dma_semaphore, #tpu.memory_space<semaphore_mem>>)
    %dma_wait3A_18 = arith.constant 128 : i32
    %dma_wait3A_19 = tpu.memref_slice %arg7[%dma_wait3A_18] : memref<512xi32, #tpu.memory_space<vmem>> -> memref<128xi32, #tpu.memory_space<vmem>>
    %dma_wait3A_20 = arith.constant 0 : i32
    %dma_wait3A_21 = arith.constant 0 : i32
    %dma_wait3A_22 = tpu.memref_slice %arg2[%dma_wait3A_20, %dma_wait3A_21] : memref<8192x256xf32, #tpu.memory_space<hbm>> -> memref<8192x256xf32, #tpu.memory_space<hbm>>
    tpu.wait_indirect_dma semaphore(%arg10 : memref<!tpu.dma_semaphore, #tpu.memory_space<semaphore_mem>>) src(%dma_wait3A_22 : memref<8192x256xf32, #tpu.memory_space<hbm>>) dst(%arg8 : memref<128x256xf32, #tpu.memory_space<vmem>>)
    %add3A_23 = arith.constant 128 : i32
    %add3A_24 = arith.addi %mul3A_2, %add3A_23 : i32
    "tpu.region"() ({
      %run_scoped3A = tpu.sem_alloc : memref<!tpu.dma_semaphore, #tpu.memory_space<semaphore_mem>>
      %dma_start3A_55 = arith.constant 0 : i32
      %dma_start3A_56 = tpu.memref_slice %arg5[%add3A_24, %dma_start3A_55] : memref<16384x256xf32, #tpu.memory_space<hbm>> -> memref<128x256xf32, #tpu.memory_space<hbm>>
      %dma_start3A_57 = arith.constant 0 : i32
      %dma_start3A_58 = tpu.memref_slice %arg5[%add3A_24, %dma_start3A_57] : memref<16384x256xf32, #tpu.memory_space<hbm>> -> memref<128x256xf32, #tpu.memory_space<hbm>>
      tpu.enqueue_dma source(%arg8 : memref<128x256xf32, #tpu.memory_space<vmem>>) target(%dma_start3A_58 : memref<128x256xf32, #tpu.memory_space<hbm>>) target_semaphore(%run_scoped3A : memref<!tpu.dma_semaphore, #tpu.memory_space<semaphore_mem>>)
      %dma_wait3A_59 = arith.constant 0 : i32
      %dma_wait3A_60 = tpu.memref_slice %arg5[%add3A_24, %dma_wait3A_59] : memref<16384x256xf32, #tpu.memory_space<hbm>> -> memref<128x256xf32, #tpu.memory_space<hbm>>
      %dma_wait3A_61 = arith.constant 0 : i32
      %dma_wait3A_62 = tpu.memref_slice %arg5[%add3A_24, %dma_wait3A_61] : memref<16384x256xf32, #tpu.memory_space<hbm>> -> memref<128x256xf32, #tpu.memory_space<hbm>>
      tpu.wait_dma2 semaphore(%run_scoped3A : memref<!tpu.dma_semaphore, #tpu.memory_space<semaphore_mem>>) src(%arg8 : memref<128x256xf32, #tpu.memory_space<vmem>>) dst(%dma_wait3A_62 : memref<128x256xf32, #tpu.memory_space<hbm>>)
      tpu.yield
    }) : () -> ()
    %dma_start3A_25 = arith.constant 256 : i32
    %dma_start3A_26 = tpu.memref_slice %arg7[%dma_start3A_25] : memref<512xi32, #tpu.memory_space<vmem>> -> memref<128xi32, #tpu.memory_space<vmem>>
    %dma_start3A_27 = arith.constant 0 : i32
    %dma_start3A_28 = arith.constant 0 : i32
    %dma_start3A_29 = tpu.memref_slice %arg2[%dma_start3A_27, %dma_start3A_28] : memref<8192x256xf32, #tpu.memory_space<hbm>> -> memref<8192x256xf32, #tpu.memory_space<hbm>>
    tpu.enqueue_indirect_dma source(%dma_start3A_29 : memref<8192x256xf32, #tpu.memory_space<hbm>>) target(%arg8 : memref<128x256xf32, #tpu.memory_space<vmem>>) offsets(%dma_start3A_26 : memref<128xi32, #tpu.memory_space<vmem>>) semaphore(%arg10 : memref<!tpu.dma_semaphore, #tpu.memory_space<semaphore_mem>>)
    %dma_wait3A_30 = arith.constant 256 : i32
    %dma_wait3A_31 = tpu.memref_slice %arg7[%dma_wait3A_30] : memref<512xi32, #tpu.memory_space<vmem>> -> memref<128xi32, #tpu.memory_space<vmem>>
    %dma_wait3A_32 = arith.constant 0 : i32
    %dma_wait3A_33 = arith.constant 0 : i32
    %dma_wait3A_34 = tpu.memref_slice %arg2[%dma_wait3A_32, %dma_wait3A_33] : memref<8192x256xf32, #tpu.memory_space<hbm>> -> memref<8192x256xf32, #tpu.memory_space<hbm>>
    tpu.wait_indirect_dma semaphore(%arg10 : memref<!tpu.dma_semaphore, #tpu.memory_space<semaphore_mem>>) src(%dma_wait3A_34 : memref<8192x256xf32, #tpu.memory_space<hbm>>) dst(%arg8 : memref<128x256xf32, #tpu.memory_space<vmem>>)
    %add3A_35 = arith.constant 256 : i32
    %add3A_36 = arith.addi %mul3A_2, %add3A_35 : i32
    "tpu.region"() ({
      %run_scoped3A = tpu.sem_alloc : memref<!tpu.dma_semaphore, #tpu.memory_space<semaphore_mem>>
      %dma_start3A_55 = arith.constant 0 : i32
      %dma_start3A_56 = tpu.memref_slice %arg5[%add3A_36, %dma_start3A_55] : memref<16384x256xf32, #tpu.memory_space<hbm>> -> memref<128x256xf32, #tpu.memory_space<hbm>>
      %dma_start3A_57 = arith.constant 0 : i32
      %dma_start3A_58 = tpu.memref_slice %arg5[%add3A_36, %dma_start3A_57] : memref<16384x256xf32, #tpu.memory_space<hbm>> -> memref<128x256xf32, #tpu.memory_space<hbm>>
      tpu.enqueue_dma source(%arg8 : memref<128x256xf32, #tpu.memory_space<vmem>>) target(%dma_start3A_58 : memref<128x256xf32, #tpu.memory_space<hbm>>) target_semaphore(%run_scoped3A : memref<!tpu.dma_semaphore, #tpu.memory_space<semaphore_mem>>)
      %dma_wait3A_59 = arith.constant 0 : i32
      %dma_wait3A_60 = tpu.memref_slice %arg5[%add3A_36, %dma_wait3A_59] : memref<16384x256xf32, #tpu.memory_space<hbm>> -> memref<128x256xf32, #tpu.memory_space<hbm>>
      %dma_wait3A_61 = arith.constant 0 : i32
      %dma_wait3A_62 = tpu.memref_slice %arg5[%add3A_36, %dma_wait3A_61] : memref<16384x256xf32, #tpu.memory_space<hbm>> -> memref<128x256xf32, #tpu.memory_space<hbm>>
      tpu.wait_dma2 semaphore(%run_scoped3A : memref<!tpu.dma_semaphore, #tpu.memory_space<semaphore_mem>>) src(%arg8 : memref<128x256xf32, #tpu.memory_space<vmem>>) dst(%dma_wait3A_62 : memref<128x256xf32, #tpu.memory_space<hbm>>)
      tpu.yield
    }) : () -> ()
    %dma_start3A_37 = arith.constant 384 : i32
    %dma_start3A_38 = tpu.memref_slice %arg7[%dma_start3A_37] : memref<512xi32, #tpu.memory_space<vmem>> -> memref<128xi32, #tpu.memory_space<vmem>>
    %dma_start3A_39 = arith.constant 0 : i32
    %dma_start3A_40 = arith.constant 0 : i32
    %dma_start3A_41 = tpu.memref_slice %arg2[%dma_start3A_39, %dma_start3A_40] : memref<8192x256xf32, #tpu.memory_space<hbm>> -> memref<8192x256xf32, #tpu.memory_space<hbm>>
    tpu.enqueue_indirect_dma source(%dma_start3A_41 : memref<8192x256xf32, #tpu.memory_space<hbm>>) target(%arg8 : memref<128x256xf32, #tpu.memory_space<vmem>>) offsets(%dma_start3A_38 : memref<128xi32, #tpu.memory_space<vmem>>) semaphore(%arg10 : memref<!tpu.dma_semaphore, #tpu.memory_space<semaphore_mem>>)
    %dma_wait3A_42 = arith.constant 384 : i32
    %dma_wait3A_43 = tpu.memref_slice %arg7[%dma_wait3A_42] : memref<512xi32, #tpu.memory_space<vmem>> -> memref<128xi32, #tpu.memory_space<vmem>>
    %dma_wait3A_44 = arith.constant 0 : i32
    %dma_wait3A_45 = arith.constant 0 : i32
    %dma_wait3A_46 = tpu.memref_slice %arg2[%dma_wait3A_44, %dma_wait3A_45] : memref<8192x256xf32, #tpu.memory_space<hbm>> -> memref<8192x256xf32, #tpu.memory_space<hbm>>
    tpu.wait_indirect_dma semaphore(%arg10 : memref<!tpu.dma_semaphore, #tpu.memory_space<semaphore_mem>>) src(%dma_wait3A_46 : memref<8192x256xf32, #tpu.memory_space<hbm>>) dst(%arg8 : memref<128x256xf32, #tpu.memory_space<vmem>>)
    %add3A_47 = arith.constant 384 : i32
    %add3A_48 = arith.addi %mul3A_2, %add3A_47 : i32
    "tpu.region"() ({
      %run_scoped3A = tpu.sem_alloc : memref<!tpu.dma_semaphore, #tpu.memory_space<semaphore_mem>>
      %dma_start3A_55 = arith.constant 0 : i32
      %dma_start3A_56 = tpu.memref_slice %arg5[%add3A_48, %dma_start3A_55] : memref<16384x256xf32, #tpu.memory_space<hbm>> -> memref<128x256xf32, #tpu.memory_space<hbm>>
      %dma_start3A_57 = arith.constant 0 : i32
      %dma_start3A_58 = tpu.memref_slice %arg5[%add3A_48, %dma_start3A_57] : memref<16384x256xf32, #tpu.memory_space<hbm>> -> memref<128x256xf32, #tpu.memory_space<hbm>>
      tpu.enqueue_dma source(%arg8 : memref<128x256xf32, #tpu.memory_space<vmem>>) target(%dma_start3A_58 : memref<128x256xf32, #tpu.memory_space<hbm>>) target_semaphore(%run_scoped3A : memref<!tpu.dma_semaphore, #tpu.memory_space<semaphore_mem>>)
      %dma_wait3A_59 = arith.constant 0 : i32
      %dma_wait3A_60 = tpu.memref_slice %arg5[%add3A_48, %dma_wait3A_59] : memref<16384x256xf32, #tpu.memory_space<hbm>> -> memref<128x256xf32, #tpu.memory_space<hbm>>
      %dma_wait3A_61 = arith.constant 0 : i32
      %dma_wait3A_62 = tpu.memref_slice %arg5[%add3A_48, %dma_wait3A_61] : memref<16384x256xf32, #tpu.memory_space<hbm>> -> memref<128x256xf32, #tpu.memory_space<hbm>>
      tpu.wait_dma2 semaphore(%run_scoped3A : memref<!tpu.dma_semaphore, #tpu.memory_space<semaphore_mem>>) src(%arg8 : memref<128x256xf32, #tpu.memory_space<vmem>>) dst(%dma_wait3A_62 : memref<128x256xf32, #tpu.memory_space<hbm>>)
      tpu.yield
    }) : () -> ()
    %broadcast_in_dim3A = arith.constant 1 : i32
    %broadcast_in_dim3A_49 = vector.broadcast %broadcast_in_dim3A : i32 to vector<16xi32>
    %scan3A = arith.constant 0 : i32
    %scan3A_50 = arith.constant 0 : i32
    %scan3A_51 = arith.constant 32 : i32
    %scan3A_52 = arith.addi %scan3A_50, %scan3A_51 : i32
    %scan3A_53 = arith.constant 1 : i32
    scf.for %scan3A_55 = %scan3A_50 to %scan3A_52 step %scan3A_53  : i32 {
      %mul3A_56 = arith.constant 16 : i32
      %mul3A_57 = arith.muli %scan3A_55, %mul3A_56 : i32
      %get3A = arith.index_cast %mul3A_57 : i32 to index
      %get3A_58 = tpu.vector_load %arg7[%get3A] {strides = array<i32>} : memref<512xi32, #tpu.memory_space<vmem>>, vector<16xi32>,
      tpu.vector_store_idx %arg9[%get3A_58], %broadcast_in_dim3A_49 {add = true} : memref<8192xi32, #tpu.memory_space<vmem>>[vector<16xi32>], vector<16xi32>,
    }
    %scan3A_54 = arith.constant 32 : i32
    "tpu.region"() ({
      %run_scoped3A = tpu.sem_alloc : memref<!tpu.dma_semaphore, #tpu.memory_space<semaphore_mem>>
      %dma_start3A_55 = arith.constant 0 : i32
      %dma_start3A_56 = tpu.memref_slice %arg6[%add3A, %dma_start3A_55] : memref<32x8192xi32, #tpu.memory_space<hbm>> -> memref<1x8192xi32, #tpu.memory_space<hbm>>
      %dma_start3A_57 = tpu.memref_squeeze %dma_start3A_56 : memref<1x8192xi32, #tpu.memory_space<hbm>> -> memref<8192xi32, #tpu.memory_space<hbm>>
      %dma_start3A_58 = arith.constant 0 : i32
      %dma_start3A_59 = tpu.memref_slice %arg6[%add3A, %dma_start3A_58] : memref<32x8192xi32, #tpu.memory_space<hbm>> -> memref<1x8192xi32, #tpu.memory_space<hbm>>
      %dma_start3A_60 = tpu.memref_squeeze %dma_start3A_59 : memref<1x8192xi32, #tpu.memory_space<hbm>> -> memref<8192xi32, #tpu.memory_space<hbm>>
      tpu.enqueue_dma source(%arg9 : memref<8192xi32, #tpu.memory_space<vmem>>) target(%dma_start3A_60 : memref<8192xi32, #tpu.memory_space<hbm>>) target_semaphore(%run_scoped3A : memref<!tpu.dma_semaphore, #tpu.memory_space<semaphore_mem>>)
      %dma_wait3A_61 = arith.constant 0 : i32
      %dma_wait3A_62 = tpu.memref_slice %arg6[%add3A, %dma_wait3A_61] : memref<32x8192xi32, #tpu.memory_space<hbm>> -> memref<1x8192xi32, #tpu.memory_space<hbm>>
      %dma_wait3A_63 = tpu.memref_squeeze %dma_wait3A_62 : memref<1x8192xi32, #tpu.memory_space<hbm>> -> memref<8192xi32, #tpu.memory_space<hbm>>
      %dma_wait3A_64 = arith.constant 0 : i32
      %dma_wait3A_65 = tpu.memref_slice %arg6[%add3A, %dma_wait3A_64] : memref<32x8192xi32, #tpu.memory_space<hbm>> -> memref<1x8192xi32, #tpu.memory_space<hbm>>
      %dma_wait3A_66 = tpu.memref_squeeze %dma_wait3A_65 : memref<1x8192xi32, #tpu.memory_space<hbm>> -> memref<8192xi32, #tpu.memory_space<hbm>>
      tpu.wait_dma2 semaphore(%run_scoped3A : memref<!tpu.dma_semaphore, #tpu.memory_space<semaphore_mem>>) src(%arg9 : memref<8192xi32, #tpu.memory_space<vmem>>) dst(%dma_wait3A_66 : memref<8192xi32, #tpu.memory_space<hbm>>)
      tpu.yield
    }) : () -> ()
    return
  }
}

module attributes {stable_mosaic.version = 14 : i64} {
  func.func @_argmin_body(%arg0: i32, %arg1: i32, %arg2: memref<1x256x1024xf32, #tpu.memory_space<vmem>>, %arg3: memref<2048x256xf32, #tpu.memory_space<vmem>>, %arg4: memref<1x1x1024xi32, #tpu.memory_space<vmem>>, %arg5: memref<1x1024xf32, #tpu.memory_space<vmem>>, %arg6: memref<1x1024xf32, #tpu.memory_space<vmem>>, %arg7: memref<1x1024xi32, #tpu.memory_space<vmem>>) attributes {dimension_semantics = [#tpu.dimension_semantics<arbitrary>, #tpu.dimension_semantics<arbitrary>], iteration_bounds = array<i64: 16, 4>, scalar_prefetch = 0 : i64, scratch_operands = 3 : i64, tpu.core_type = #tpu.core_type<tc>, window_params = [{transform_indices = @transform_0, window_bounds = array<i64: 1, 256, 1024>}, {transform_indices = @transform_1, window_bounds = array<i64: 2048, 256>}, {transform_indices = @transform_2, window_bounds = array<i64: 1, 1, 1024>}]} {
    %get3A = arith.constant 0 : index
    %get3A_0 = arith.constant 0 : index
    %get3A_1 = arith.constant 0 : index
    %get3A_2 = vector.load %arg2[%get3A, %get3A_0, %get3A_1] : memref<1x256x1024xf32, #tpu.memory_space<vmem>>, vector<1x256x1024xf32>
    %get3A_3 = vector.shape_cast %get3A_2 : vector<1x256x1024xf32> to vector<256x1024xf32>
    %eq3A = arith.constant 0 : i32
    %eq3A_4 = arith.cmpi eq, %arg1, %eq3A : i32
    %convert_element_type3A = arith.extui %eq3A_4 : i1 to i32
    %cond3A = arith.constant 0 : i32
    %cond3A_5 = arith.cmpi ne, %convert_element_type3A, %cond3A : i32
    scf.if %cond3A_5 {
      %mul3A_47 = arith.mulf %get3A_3, %get3A_3 : vector<256x1024xf32>
      %reduce_sum3A_48 = arith.constant dense<0.000000e+00> : vector<1024xf32>
      %reduce_sum3A_49 = vector.multi_reduction <add>, %mul3A_47, %reduce_sum3A_48 [0] : vector<256x1024xf32> to vector<1024xf32>
      %broadcast_in_dim3A_50 = vector.shape_cast %reduce_sum3A_49 : vector<1024xf32> to vector<1x1024xf32>
      %swap3A = arith.constant 0 : index
      %swap3A_51 = arith.constant 0 : index
      %swap3A_52 = vector.load %arg5[%swap3A, %swap3A_51] : memref<1x1024xf32, #tpu.memory_space<vmem>>, vector<1x1024xf32>
      tpu.vector_store %arg5[%swap3A, %swap3A_51], %broadcast_in_dim3A_50 {strides = array<i32>} : memref<1x1024xf32, #tpu.memory_space<vmem>>, vector<1x1024xf32>,
    } else {
    }
    %get3A_6 = arith.constant 0 : index
    %get3A_7 = arith.constant 0 : index
    %get3A_8 = vector.load %arg3[%get3A_6, %get3A_7] : memref<2048x256xf32, #tpu.memory_space<vmem>>, vector<2048x256xf32>
    %convert_element_type3A_9 = arith.truncf %get3A_8 : vector<2048x256xf32> to vector<2048x256xbf16>
    %convert_element_type3A_10 = arith.truncf %get3A_3 : vector<256x1024xf32> to vector<256x1024xbf16>
    %dot_general3A = arith.constant dense<0.000000e+00> : vector<2048x1024xf32>
    %dot_general3A_11 = tpu.matmul %convert_element_type3A_9, %convert_element_type3A_10, %dot_general3A {dimension_numbers = #tpu.dot_dimension_numbers<[1], [0], [0], [1], [0, 0, 1, 1], [], []>, transpose_lhs_hint = false} : vector<2048x256xbf16>, vector<256x1024xbf16>, vector<2048x1024xf32> -> vector<2048x1024xf32>
    %mul3A = arith.mulf %get3A_8, %get3A_8 : vector<2048x256xf32>
    %reduce_sum3A = arith.constant dense<0.000000e+00> : vector<2048xf32>
    %reduce_sum3A_12 = vector.multi_reduction <add>, %mul3A, %reduce_sum3A [1] : vector<2048x256xf32> to vector<2048xf32>
    %broadcast_in_dim3A = vector.shape_cast %reduce_sum3A_12 : vector<2048xf32> to vector<2048x1xf32>
    %get3A_13 = arith.constant 0 : index
    %get3A_14 = arith.constant 0 : index
    %get3A_15 = vector.load %arg5[%get3A_13, %get3A_14] : memref<1x1024xf32, #tpu.memory_space<vmem>>, vector<1x1024xf32>
    %add3A = vector.broadcast %get3A_15 : vector<1x1024xf32> to vector<2048x1024xf32>
    %add3A_16 = vector.broadcast %broadcast_in_dim3A : vector<2048x1xf32> to vector<2048x1024xf32>
    %add3A_17 = arith.addf %add3A, %add3A_16 : vector<2048x1024xf32>
    %mul3A_18 = arith.constant 2.000000e+00 : f32
    %mul3A_19 = vector.broadcast %mul3A_18 : f32 to vector<2048x1024xf32>
    %mul3A_20 = arith.mulf %mul3A_19, %dot_general3A_11 : vector<2048x1024xf32>
    %sub3A = arith.subf %add3A_17, %mul3A_20 : vector<2048x1024xf32>
    %reduce_min3A = arith.constant dense<0x7F800000> : vector<1024xf32>
    %reduce_min3A_21 = vector.multi_reduction <minimumf>, %sub3A, %reduce_min3A [0] : vector<2048x1024xf32> to vector<1024xf32>
    %broadcast_in_dim3A_22 = vector.shape_cast %reduce_min3A_21 : vector<1024xf32> to vector<1x1024xf32>
    %iota3A = tpu.iota {dimensions = array<i32: 0>} : vector<2048x1024xi32>
    %eq3A_23 = vector.broadcast %broadcast_in_dim3A_22 : vector<1x1024xf32> to vector<2048x1024xf32>
    %eq3A_24 = arith.cmpf oeq, %sub3A, %eq3A_23 : vector<2048x1024xf32>
    %jit3A = arith.constant 8192 : i32
    %broadcast_in_dim3A_25 = vector.broadcast %jit3A : i32 to vector<2048x1024xi32>
    %select_n3A = arith.select %eq3A_24, %iota3A, %broadcast_in_dim3A_25 : vector<2048x1024xi1>, vector<2048x1024xi32>
    %reduce_min3A_26 = arith.constant dense<2147483647> : vector<1024xi32>
    %reduce_min3A_27 = vector.multi_reduction <minsi>, %select_n3A, %reduce_min3A_26 [0] : vector<2048x1024xi32> to vector<1024xi32>
    %broadcast_in_dim3A_28 = vector.shape_cast %reduce_min3A_27 : vector<1024xi32> to vector<1x1024xi32>
    %mul3A_29 = arith.constant 2048 : i32
    %mul3A_30 = arith.muli %arg1, %mul3A_29 : i32
    %add3A_31 = vector.broadcast %mul3A_30 : i32 to vector<1x1024xi32>
    %add3A_32 = arith.addi %broadcast_in_dim3A_28, %add3A_31 : vector<1x1024xi32>
    %eq3A_33 = arith.constant 0 : i32
    %eq3A_34 = arith.cmpi eq, %arg1, %eq3A_33 : i32
    %convert_element_type3A_35 = arith.extui %eq3A_34 : i1 to i32
    %cond3A_36 = arith.constant 0 : i32
    %cond3A_37 = arith.cmpi ne, %convert_element_type3A_35, %cond3A_36 : i32
    scf.if %cond3A_37 {
      %convert_element_type3A_47 = arith.truncf %broadcast_in_dim3A_22 : vector<1x1024xf32> to vector<1x1024xbf16>
      %convert_element_type3A_48 = arith.extf %convert_element_type3A_47 : vector<1x1024xbf16> to vector<1x1024xf32>
      %swap3A = arith.constant 0 : index
      %swap3A_49 = arith.constant 0 : index
      %swap3A_50 = vector.load %arg6[%swap3A, %swap3A_49] : memref<1x1024xf32, #tpu.memory_space<vmem>>, vector<1x1024xf32>
      tpu.vector_store %arg6[%swap3A, %swap3A_49], %convert_element_type3A_48 {strides = array<i32>} : memref<1x1024xf32, #tpu.memory_space<vmem>>, vector<1x1024xf32>,
      %swap3A_51 = arith.constant 0 : index
      %swap3A_52 = arith.constant 0 : index
      %swap3A_53 = vector.load %arg7[%swap3A_51, %swap3A_52] : memref<1x1024xi32, #tpu.memory_space<vmem>>, vector<1x1024xi32>
      tpu.vector_store %arg7[%swap3A_51, %swap3A_52], %add3A_32 {strides = array<i32>} : memref<1x1024xi32, #tpu.memory_space<vmem>>, vector<1x1024xi32>,
    } else {
    }
    %gt3A = arith.constant 0 : i32
    %gt3A_38 = arith.cmpi sgt, %arg1, %gt3A : i32
    %convert_element_type3A_39 = arith.extui %gt3A_38 : i1 to i32
    %cond3A_40 = arith.constant 0 : i32
    %cond3A_41 = arith.cmpi ne, %convert_element_type3A_39, %cond3A_40 : i32
    scf.if %cond3A_41 {
      %get3A_47 = arith.constant 0 : index
      %get3A_48 = arith.constant 0 : index
      %get3A_49 = vector.load %arg6[%get3A_47, %get3A_48] : memref<1x1024xf32, #tpu.memory_space<vmem>>, vector<1x1024xf32>
      %lt3A = arith.cmpf olt, %broadcast_in_dim3A_22, %get3A_49 : vector<1x1024xf32>
      %get3A_50 = arith.constant 0 : index
      %get3A_51 = arith.constant 0 : index
      %get3A_52 = vector.load %arg6[%get3A_50, %get3A_51] : memref<1x1024xf32, #tpu.memory_space<vmem>>, vector<1x1024xf32>
      %select_n3A_53 = arith.select %lt3A, %broadcast_in_dim3A_22, %get3A_52 : vector<1x1024xi1>, vector<1x1024xf32>
      %convert_element_type3A_54 = arith.truncf %select_n3A_53 : vector<1x1024xf32> to vector<1x1024xbf16>
      %convert_element_type3A_55 = arith.extf %convert_element_type3A_54 : vector<1x1024xbf16> to vector<1x1024xf32>
      %swap3A = arith.constant 0 : index
      %swap3A_56 = arith.constant 0 : index
      %swap3A_57 = vector.load %arg6[%swap3A, %swap3A_56] : memref<1x1024xf32, #tpu.memory_space<vmem>>, vector<1x1024xf32>
      tpu.vector_store %arg6[%swap3A, %swap3A_56], %convert_element_type3A_55 {strides = array<i32>} : memref<1x1024xf32, #tpu.memory_space<vmem>>, vector<1x1024xf32>,
      %get3A_58 = arith.constant 0 : index
      %get3A_59 = arith.constant 0 : index
      %get3A_60 = vector.load %arg7[%get3A_58, %get3A_59] : memref<1x1024xi32, #tpu.memory_space<vmem>>, vector<1x1024xi32>
      %select_n3A_61 = arith.select %lt3A, %add3A_32, %get3A_60 : vector<1x1024xi1>, vector<1x1024xi32>
      %swap3A_62 = arith.constant 0 : index
      %swap3A_63 = arith.constant 0 : index
      %swap3A_64 = vector.load %arg7[%swap3A_62, %swap3A_63] : memref<1x1024xi32, #tpu.memory_space<vmem>>, vector<1x1024xi32>
      tpu.vector_store %arg7[%swap3A_62, %swap3A_63], %select_n3A_61 {strides = array<i32>} : memref<1x1024xi32, #tpu.memory_space<vmem>>, vector<1x1024xi32>,
    } else {
    }
    %eq3A_42 = arith.constant 3 : i32
    %eq3A_43 = arith.cmpi eq, %arg1, %eq3A_42 : i32
    %convert_element_type3A_44 = arith.extui %eq3A_43 : i1 to i32
    %cond3A_45 = arith.constant 0 : i32
    %cond3A_46 = arith.cmpi ne, %convert_element_type3A_44, %cond3A_45 : i32
    scf.if %cond3A_46 {
      %get3A_47 = arith.constant 0 : index
      %get3A_48 = arith.constant 0 : index
      %get3A_49 = vector.load %arg7[%get3A_47, %get3A_48] : memref<1x1024xi32, #tpu.memory_space<vmem>>, vector<1x1024xi32>
      %swap3A = arith.constant 0 : index
      %swap3A_50 = arith.constant 0 : index
      %swap3A_51 = arith.constant 0 : index
      %swap3A_52 = vector.load %arg4[%swap3A, %swap3A_50, %swap3A_51] : memref<1x1x1024xi32, #tpu.memory_space<vmem>>, vector<1x1x1024xi32>
      %swap3A_53 = vector.shape_cast %swap3A_52 : vector<1x1x1024xi32> to vector<1x1024xi32>
      %swap3A_54 = vector.shape_cast %get3A_49 : vector<1x1024xi32> to vector<1x1x1024xi32>
      tpu.vector_store %arg4[%swap3A, %swap3A_50, %swap3A_51], %swap3A_54 {strides = array<i32>} : memref<1x1x1024xi32, #tpu.memory_space<vmem>>, vector<1x1x1024xi32>,
    } else {
    }
    return
  }
  func.func @transform_0(%arg0: i32, %arg1: i32) -> (i32, i32, i32) {
    %c0_i32 = arith.constant 0 : i32
    %c0_i32_0 = arith.constant 0 : i32
    %c0_i32_1 = arith.constant 0 : i32
    return %arg0, %c0_i32, %c0_i32_0 : i32, i32, i32
  }
  func.func @transform_1(%arg0: i32, %arg1: i32) -> (i32, i32) {
    %c0_i32 = arith.constant 0 : i32
    %c0_i32_0 = arith.constant 0 : i32
    return %arg1, %c0_i32 : i32, i32
  }
  func.func @transform_2(%arg0: i32, %arg1: i32) -> (i32, i32, i32) {
    %c0_i32 = arith.constant 0 : i32
    %c0_i32_0 = arith.constant 0 : i32
    %c0_i32_1 = arith.constant 0 : i32
    return %arg0, %c0_i32, %c0_i32_0 : i32, i32, i32
  }
}

module attributes {stable_mosaic.version = 14 : i64} {
  func.func @_finalize_body(%arg0: i32, %arg1: memref<1x1024x256xf32, #tpu.memory_space<vmem>>, %arg2: memref<1x256x1024xf32, #tpu.memory_space<vmem>>, %arg3: memref<32x8192xi32, #tpu.memory_space<vmem>>, %arg4: memref<1x1xf32, #tpu.memory_space<vmem>>, %arg5: memref<1x256x1024xf32, #tpu.memory_space<vmem>>, %arg6: memref<1x1xf32, #tpu.memory_space<vmem>>, %arg7: memref<1x1xf32, #tpu.memory_space<smem>>) attributes {dimension_semantics = [#tpu.dimension_semantics<arbitrary>], iteration_bounds = array<i64: 16>, scalar_prefetch = 0 : i64, scratch_operands = 1 : i64, tpu.core_type = #tpu.core_type<tc>, window_params = [{transform_indices = @transform_0, window_bounds = array<i64: 1, 1024, 256>}, {transform_indices = @transform_1, window_bounds = array<i64: 1, 256, 1024>}, {pipeline_mode = #tpu.pipeline_mode<synchronous>, transform_indices = @transform_2, window_bounds = array<i64: 32, 8192>}, {pipeline_mode = #tpu.pipeline_mode<synchronous>, transform_indices = @transform_3, window_bounds = array<i64: 1, 1>}, {transform_indices = @transform_4, window_bounds = array<i64: 1, 256, 1024>}, {pipeline_mode = #tpu.pipeline_mode<synchronous>, transform_indices = @transform_5, window_bounds = array<i64: 1, 1>}]} {
    %get3A = arith.constant 0 : index
    %get3A_0 = arith.constant 0 : index
    %get3A_1 = arith.constant 0 : index
    %get3A_2 = vector.load %arg1[%get3A, %get3A_0, %get3A_1] : memref<1x1024x256xf32, #tpu.memory_space<vmem>>, vector<1x1024x256xf32>
    %get3A_3 = vector.shape_cast %get3A_2 : vector<1x1024x256xf32> to vector<1024x256xf32>
    %get3A_4 = arith.constant 0 : index
    %get3A_5 = arith.constant 0 : index
    %get3A_6 = arith.constant 0 : index
    %get3A_7 = vector.load %arg2[%get3A_4, %get3A_5, %get3A_6] : memref<1x256x1024xf32, #tpu.memory_space<vmem>>, vector<1x256x1024xf32>
    %get3A_8 = vector.shape_cast %get3A_7 : vector<1x256x1024xf32> to vector<256x1024xf32>
    %transpose3A = tpu.transpose %get3A_3, [1, 0] : vector<1024x256xf32> -> vector<256x1024xf32>
    %sub3A = arith.subf %transpose3A, %get3A_8 : vector<256x1024xf32>
    %add3A = arith.addf %get3A_8, %sub3A : vector<256x1024xf32>
    %swap3A = arith.constant 0 : index
    %swap3A_9 = arith.constant 0 : index
    %swap3A_10 = arith.constant 0 : index
    %swap3A_11 = vector.load %arg5[%swap3A, %swap3A_9, %swap3A_10] : memref<1x256x1024xf32, #tpu.memory_space<vmem>>, vector<1x256x1024xf32>
    %swap3A_12 = vector.shape_cast %swap3A_11 : vector<1x256x1024xf32> to vector<256x1024xf32>
    %swap3A_13 = vector.shape_cast %add3A : vector<256x1024xf32> to vector<1x256x1024xf32>
    tpu.vector_store %arg5[%swap3A, %swap3A_9, %swap3A_10], %swap3A_13 {strides = array<i32>} : memref<1x256x1024xf32, #tpu.memory_space<vmem>>, vector<1x256x1024xf32>,
    %eq3A = arith.constant 0 : i32
    %eq3A_14 = arith.cmpi eq, %arg0, %eq3A : i32
    %convert_element_type3A = arith.extui %eq3A_14 : i1 to i32
    %cond3A = arith.constant 0 : i32
    %cond3A_15 = arith.cmpi ne, %convert_element_type3A, %cond3A : i32
    scf.if %cond3A_15 {
      %swap3A_32 = arith.constant 0.000000e+00 : f32
      %swap3A_33 = arith.constant 0 : index
      %swap3A_34 = arith.constant 0 : index
      %swap3A_35 = memref.load %arg7[%swap3A_33, %swap3A_34] : memref<1x1xf32, #tpu.memory_space<smem>>
      memref.store %swap3A_32, %arg7[%swap3A_33, %swap3A_34] : memref<1x1xf32, #tpu.memory_space<smem>>
    } else {
    }
    %get3A_16 = arith.constant 0 : index
    %get3A_17 = arith.constant 0 : index
    %get3A_18 = memref.load %arg7[%get3A_16, %get3A_17] : memref<1x1xf32, #tpu.memory_space<smem>>
    %mul3A = arith.mulf %sub3A, %sub3A : vector<256x1024xf32>
    %reduce_sum3A = vector.shape_cast %mul3A : vector<256x1024xf32> to vector<1x256x1024xf32>
    %reduce_sum3A_19 = arith.constant dense<0.000000e+00> : vector<1xf32>
    %reduce_sum3A_20 = vector.multi_reduction <add>, %reduce_sum3A, %reduce_sum3A_19 [1, 2] : vector<1x256x1024xf32> to vector<1xf32>
    %reduce_sum3A_21 = vector.shape_cast %reduce_sum3A_20 : vector<1xf32> to vector<1x1x1xf32>
    %reduce_sum3A_22 = vector.extract %reduce_sum3A_21[0, 0, 0] : f32 from vector<1x1x1xf32>
    %add3A_23 = arith.addf %get3A_18, %reduce_sum3A_22 : f32
    %swap3A_24 = arith.constant 0 : index
    %swap3A_25 = arith.constant 0 : index
    %swap3A_26 = memref.load %arg7[%swap3A_24, %swap3A_25] : memref<1x1xf32, #tpu.memory_space<smem>>
    memref.store %add3A_23, %arg7[%swap3A_24, %swap3A_25] : memref<1x1xf32, #tpu.memory_space<smem>>
    %eq3A_27 = arith.constant 15 : i32
    %eq3A_28 = arith.cmpi eq, %arg0, %eq3A_27 : i32
    %convert_element_type3A_29 = arith.extui %eq3A_28 : i1 to i32
    %cond3A_30 = arith.constant 0 : i32
    %cond3A_31 = arith.cmpi ne, %convert_element_type3A_29, %cond3A_30 : i32
    scf.if %cond3A_31 {
      %get3A_32 = arith.constant 0 : index
      %get3A_33 = arith.constant 0 : index
      %get3A_34 = memref.load %arg7[%get3A_32, %get3A_33] : memref<1x1xf32, #tpu.memory_space<smem>>
      %mul3A_35 = arith.constant 5.96046448E-8 : f32
      %mul3A_36 = arith.mulf %mul3A_35, %get3A_34 : f32
      %reshape3A = vector.broadcast %mul3A_36 : f32 to vector<1x1xf32>
      %swap3A_37 = arith.constant 0 : index
      %swap3A_38 = arith.constant 0 : index
      %swap3A_39 = vector.load %arg4[%swap3A_37, %swap3A_38] : memref<1x1xf32, #tpu.memory_space<vmem>>, vector<1x1xf32>
      tpu.vector_store %arg4[%swap3A_37, %swap3A_38], %reshape3A {strides = array<i32>} : memref<1x1xf32, #tpu.memory_space<vmem>>, vector<1x1xf32>,
      %get3A_40 = arith.constant 0 : index
      %get3A_41 = arith.constant 0 : index
      %get3A_42 = vector.load %arg3[%get3A_40, %get3A_41] : memref<32x8192xi32, #tpu.memory_space<vmem>>, vector<32x8192xi32>
      %convert_element_type3A_43 = arith.sitofp %get3A_42 : vector<32x8192xi32> to vector<32x8192xf32>
      %reduce_sum3A_44 = arith.constant dense<0.000000e+00> : vector<8192xf32>
      %reduce_sum3A_45 = vector.multi_reduction <add>, %convert_element_type3A_43, %reduce_sum3A_44 [0] : vector<32x8192xf32> to vector<8192xf32>
      %broadcast_in_dim3A = vector.shape_cast %reduce_sum3A_45 : vector<8192xf32> to vector<1x8192xf32>
      %mul3A_46 = arith.constant 6.10351563E-5 : f32
      %mul3A_47 = vector.broadcast %mul3A_46 : f32 to vector<1x8192xf32>
      %mul3A_48 = arith.mulf %broadcast_in_dim3A, %mul3A_47 : vector<1x8192xf32>
      %add3A_49 = arith.constant 1.000000e-10 : f32
      %add3A_50 = vector.broadcast %add3A_49 : f32 to vector<1x8192xf32>
      %add3A_51 = arith.addf %mul3A_48, %add3A_50 : vector<1x8192xf32>
      %log3A = math.log %add3A_51 : vector<1x8192xf32>
      %mul3A_52 = arith.mulf %mul3A_48, %log3A : vector<1x8192xf32>
      %reduce_sum3A_53 = vector.shape_cast %mul3A_52 : vector<1x8192xf32> to vector<1x1x8192xf32>
      %reduce_sum3A_54 = arith.constant dense<0.000000e+00> : vector<1xf32>
      %reduce_sum3A_55 = vector.multi_reduction <add>, %reduce_sum3A_53, %reduce_sum3A_54 [1, 2] : vector<1x1x8192xf32> to vector<1xf32>
      %reduce_sum3A_56 = vector.shape_cast %reduce_sum3A_55 : vector<1xf32> to vector<1x1x1xf32>
      %reduce_sum3A_57 = vector.extract %reduce_sum3A_56[0, 0, 0] : f32 from vector<1x1x1xf32>
      %neg3A = arith.constant 0.000000e+00 : f32
      %neg3A_58 = arith.subf %neg3A, %reduce_sum3A_57 : f32
      %exp3A = math.exp %neg3A_58 : f32
      %reshape3A_59 = vector.broadcast %exp3A : f32 to vector<1x1xf32>
      %swap3A_60 = arith.constant 0 : index
      %swap3A_61 = arith.constant 0 : index
      %swap3A_62 = vector.load %arg6[%swap3A_60, %swap3A_61] : memref<1x1xf32, #tpu.memory_space<vmem>>, vector<1x1xf32>
      tpu.vector_store %arg6[%swap3A_60, %swap3A_61], %reshape3A_59 {strides = array<i32>} : memref<1x1xf32, #tpu.memory_space<vmem>>, vector<1x1xf32>,
    } else {
    }
    return
  }
  func.func @transform_0(%arg0: i32) -> (i32, i32, i32) {
    %c0_i32 = arith.constant 0 : i32
    %c0_i32_0 = arith.constant 0 : i32
    %c0_i32_1 = arith.constant 0 : i32
    return %arg0, %c0_i32, %c0_i32_0 : i32, i32, i32
  }
  func.func @transform_1(%arg0: i32) -> (i32, i32, i32) {
    %c0_i32 = arith.constant 0 : i32
    %c0_i32_0 = arith.constant 0 : i32
    %c0_i32_1 = arith.constant 0 : i32
    return %arg0, %c0_i32, %c0_i32_0 : i32, i32, i32
  }
  func.func @transform_2(%arg0: i32) -> (i32, i32) {
    %c0_i32 = arith.constant 0 : i32
    %c0_i32_0 = arith.constant 0 : i32
    %c0_i32_1 = arith.constant 0 : i32
    return %c0_i32, %c0_i32_0 : i32, i32
  }
  func.func @transform_3(%arg0: i32) -> (i32, i32) {
    %c0_i32 = arith.constant 0 : i32
    %c0_i32_0 = arith.constant 0 : i32
    %c0_i32_1 = arith.constant 0 : i32
    return %c0_i32, %c0_i32_0 : i32, i32
  }
  func.func @transform_4(%arg0: i32) -> (i32, i32, i32) {
    %c0_i32 = arith.constant 0 : i32
    %c0_i32_0 = arith.constant 0 : i32
    %c0_i32_1 = arith.constant 0 : i32
    return %arg0, %c0_i32, %c0_i32_0 : i32, i32, i32
  }
  func.func @transform_5(%arg0: i32) -> (i32, i32) {
    %c0_i32 = arith.constant 0 : i32
    %c0_i32_0 = arith.constant 0 : i32
    %c0_i32_1 = arith.constant 0 : i32
    return %c0_i32, %c0_i32_0 : i32, i32
  }
}

</mosaic_0001>

<sc_bundles>
// kernel: kernel.5.cloned.1.call-start
scs
__scs_entry_jumppad:
0x0: {  	(pc) =	sbr.rel $0x88, $3  }
0x1: {  	(tag) =	ssettag $0x0;
	lr =	simm.s32 $0x1  }
0x2: {  	[smem:$0x3F9F] =	sst lr;
	_ =	strace $0xD0000000  }
0x3: {  	_ = 	snop  }
0x4: {  	_ = 	snop  }
0x5: {  	_ = 	snop  }
0x6: {  	_ = 	snop  }
0x7: {  	_ = 	snop  }
__scs_overlays_trampoline_lowered:
0x8: {  	[smem:$0x3FAE] =	sst s0  }
0x9: {  	[smem:$0x3FAF] =	sst s1  }
0xa: {  	[smem:$0x3FB0] =	sst s2  }
0xb: {  	[smem:$0x3FB1] =	sst s3  }
0xc: {  	[smem:$0x3FB2] =	sst s4  }
0xd: {  	[smem:$0x3FB3] =	sst s5  }
0xe: {  	[smem:$0x3FB4] =	sst s6  }
0xf: {  	[smem:$0x3FB5] =	sst s7  }
0x10: {  	[smem:$0x3FB6] =	sst s8  }
0x11: {  	[smem:$0x3FB7] =	sst s9;
	s0 =	simm.s32 @!p0 $0x0  }
0x12: {  	s1 =	sld [smem:$0x3F9D];
	s0 =	simm.s32 @p0 $0x1  }
0x13: {  	[smem:$0x3FB8] =	sst s0;
	s0 =	simm.s32 @!p1 $0x0  }
0x14: {  	s2 =	sld [smem:$0x3F9C];
	s0 =	simm.s32 @p1 $0x1  }
0x15: {  	[smem:$0x3FB9] =	sst s0;
	s0 =	simm.s32 @!p2 $0x0  }
0x16: {  	s3 =	sld [smem:$0x3FDB];
	s0 =	simm.s32 @p2 $0x1  }
0x17: {  	s4 =	simm.s32 $0x1BF5;
	[smem:$0x3FBB] =	sst s0  }
0x18: {  	s0 =	sld [smem:$0x3F9E];
	_ =	swait.ge [sflag:s4], $0x0  }
0x19: {  	s7 =	sld [smem:$0x3F9F]  }
0x1a: {  	s8 =	sadd.s32 $0xFFFFE003, lr  }
0x1b: {  	s9 =	sadd.s32 $0xFFFFFEF7, lr;
	s5 =	simm.s32 $0xFFFFFFFF;
	p2 =	slt.u32 s8, $0xFFFFF086  }
0x1c: {  	p1 =	slt.u32 s9, $0xF7A;
	s5 =	simm.s32 @!p2 $0x0  }
0x1d: {  	s5 =	simm.s32 @p1 $0x1;
	p0 =	seq.s32 s7, s2  }
0x1e: {  	s7 =	smul.u32 @!p0 $0xF7A, s2;
	p2 =	seq.s32 @!p0 s5, $0x0  }
0x1f: {  	s9 =	smul.u32 $0xF7A, s1;
	s8 =	simm.s32 @!p0 $0x1BF5;
	p2 =	por !p2, p0  }
0x20: {  	[sflag:s8] =	ssyncset.s32 @!p0 $0xFFFFF086;
	s6 =	sadd.s32 @!p0 s3, s7;
	s7 =	simm.s32 @!p0 $0x108  }
0x21: {  	s3 =	sadd.s32 s3, s9;
	s6 =	sadd.s32 @!p0 $0x88, s6;
	s7 =	simm.s32 @p2 $0x1082  }
0x22: {  	[simem:s7], [sflag:s8] =	dma.local @!p0 [hbm:s6], $0xF7A  }
0x23: {  	s9 =	sor.u32 $0xD0000000, s2;
	s6 =	simm.s32 $0x108;
	_ =	swait.ge @!p0 [sflag:s8], $0x0  }
0x24: {  	s3 =	sadd.s32 $0x88, s3;
	s6 =	simm.s32 @!p1 $0x1082;
	[sflag:s4] =	ssyncset.s32 $0xFFFFF086  }
0x25: {  	[simem:s6], [sflag:s4] =	dma.local [hbm:s3], $0xF7A  }
0x26: {  	[smem:$0x3F9F] =	sst s1;
	(tag) =	ssettag s2;
	_ =	strace s9  }
0x27: {  	s1 =	sld [smem:$0x3FAF]  }
0x28: {  	s2 =	sld [smem:$0x3FB0]  }
0x29: {  	s4 =	sld [smem:$0x3FB2]  }
0x2a: {  	p0 =	seq.s32 s5, $0x0;
	s5 =	sld [smem:$0x3FB3]  }
0x2b: {  	s6 =	sld [smem:$0x3FB4]  }
0x2c: {  	s7 =	sld [smem:$0x3FB5]  }
0x2d: {  	s3 =	simm.s32 $0x108;
	s8 =	sld [smem:$0x3FB6]  }
0x2e: {  	s3 =	simm.s32 @!p0 $0x1082;
	s9 =	sld [smem:$0x3FB7]  }
0x2f: {  	lr =	sadd.s32 s0, s3;
	s0 =	sld [smem:$0x3FAE]  }
0x30: {  	s3 =	sld [smem:$0x3FB1]  }
0x31: {  	[smem:$0x3FBA] =	sst s10  }
0x32: {  	s10 =	sld [smem:$0x3FB8];
	_ =	sdelay $0x3  }
0x33: {  	p0 =	seq.s32 s10, $0x1;
	s10 =	sld [smem:$0x3FBA];
	_ =	sdelay $0x3  }
0x34: {  	[smem:$0x3FBA] =	sst s10  }
0x35: {  	s10 =	sld [smem:$0x3FB9];
	_ =	sdelay $0x3  }
0x36: {  	p1 =	seq.s32 s10, $0x1;
	s10 =	sld [smem:$0x3FBA];
	_ =	sdelay $0x3  }
0x37: {  	[smem:$0x3FBA] =	sst s10  }
0x38: {  	s10 =	sld [smem:$0x3FBB]  }
0x39: {  	_ = 	snop;
	(pc) =	sbr.ind lr, $3  }
0x3a: {  	_ = 	snop  }
0x3b: {  	_ = 	snop  }
0x3c: {  	p2 =	seq.s32 s10, $0x1;
	s10 =	sld [smem:$0x3FBA]  }
0x3d: {  	_ =	shalt  }
0x3e: {  	_ =	shalt  }
0x3f: {  	_ =	shalt  }
0x40: {  	_ =	shalt  }
0x41: {  	_ =	shalt  }
0x42: {  	_ =	shalt  }
0x43: {  	_ =	shalt  }
0x44: {  	_ =	shalt  }
0x45: {  	_ =	shalt  }
0x46: {  	_ =	shalt  }
0x47: {  	_ =	shalt  }
0x48: {  	_ =	shalt  }
0x49: {  	_ =	shalt  }
0x4a: {  	_ =	shalt  }
0x4b: {  	_ =	shalt  }
0x4c: {  	_ =	shalt  }
0x4d: {  	_ =	shalt  }
0x4e: {  	_ =	shalt  }
0x4f: {  	_ =	shalt  }
0x50: {  	_ =	shalt  }
0x51: {  	_ =	shalt  }
0x52: {  	_ =	shalt  }
0x53: {  	_ =	shalt  }
0x54: {  	_ =	shalt  }
0x55: {  	_ =	shalt  }
0x56: {  	_ =	shalt  }
0x57: {  	_ =	shalt  }
0x58: {  	_ =	shalt  }
0x59: {  	_ =	shalt  }
0x5a: {  	_ =	shalt  }
0x5b: {  	_ =	shalt  }
0x5c: {  	_ =	shalt  }
0x5d: {  	_ =	shalt  }
0x5e: {  	_ =	shalt  }
0x5f: {  	_ =	shalt  }
0x60: {  	_ =	shalt  }
0x61: {  	_ =	shalt  }
0x62: {  	_ =	shalt  }
0x63: {  	_ =	shalt  }
0x64: {  	_ =	shalt  }
0x65: {  	_ =	shalt  }
0x66: {  	_ =	shalt  }
0x67: {  	_ =	shalt  }
0x68: {  	_ =	shalt  }
0x69: {  	_ =	shalt  }
0x6a: {  	_ =	shalt  }
0x6b: {  	_ =	shalt  }
0x6c: {  	_ =	shalt  }
0x6d: {  	_ =	shalt  }
0x6e: {  	_ =	shalt  }
0x6f: {  	_ =	shalt  }
0x70: {  	_ =	shalt  }
0x71: {  	_ =	shalt  }
0x72: {  	_ =	shalt  }
0x73: {  	_ =	shalt  }
0x74: {  	_ =	shalt  }
0x75: {  	_ =	shalt  }
0x76: {  	_ =	shalt  }
0x77: {  	_ =	shalt  }
0x78: {  	_ =	shalt  }
0x79: {  	_ =	shalt  }
0x7a: {  	_ =	shalt  }
0x7b: {  	_ =	shalt  }
0x7c: {  	_ =	shalt  }
0x7d: {  	_ =	shalt  }
0x7e: {  	_ =	shalt  }
0x7f: {  	_ =	shalt  }
0x80: {  	_ =	shalt  }
0x81: {  	_ =	shalt  }
0x82: {  	_ =	shalt  }
0x83: {  	_ =	shalt  }
0x84: {  	_ =	shalt  }
0x85: {  	_ =	shalt  }
0x86: {  	_ =	shalt  }
0x87: {  	_ =	shalt  }
.Lfunc_end0:
.L_simem_size_0:
called_computation_lowered:
.L_overlay_start_0:
0x88: {  	s2 =	sld [smem:$0x3FD9]  }
0x89: {  	s3 =	sld [smem:$0x3FFE];
	_ =	sdelay $0x1  }
0x8a: {  	s1 =	srdreg.scid  }
0x8b: {  	s0 =	sand.u32 $0x1, s1  }
0x8c: {  	s17 =	sshll.u32 s0, $0xA;
	s2 =	sadd.s32 s3, s2  }
0x8d: {  	s2 =	sadd.s32 s2, s17  }
0x8e: {  	[smem:$0x3FC6] =	sst s2  }
0x8f: {  	_ = 	snop  }
0x90: {  	s2 =	sld [smem:$0x3FC8];
	(tm) =	ssettm $0x1  }
0x91: {  	s18 =	sld [smem:$0x3FFB];
	_ =	sdelay $0x3  }
0x92: {  	_ =	strace s18  }
0x93: {  	s3 =	sld [smem:$0x3FFC];
	_ =	sdelay $0x3  }
0x94: {  	_ =	strace s3  }
0x95: {  	s3 =	sld [smem:$0x3FFD];
	_ =	sdelay $0x3  }
0x96: {  	_ =	strace s3  }
0x97: {  	_ =	strace $0x8FFFFFFF  }
0x98: {  	s19 =	sld [smem:$0x3FDB];
	_ =	sdelay $0x1  }
0x99: {  	s4 =	simm.s32 $_scs_section_size  }
0x9a: {  	s5 =	simm.s32 $_size__tile_overlayer_lowered;
	s6 =	simm.s32 $_tile_overlayer_lowered  }
0x9b: {  	s22 =	simm.s32 $0x1BFF;
	s21 =	sshll.u32 s6, $0x1;
	s3 =	sadd.s32 s4, s19  }
0x9c: {  	s7 =	simm.s32 $0x0;
	s20 =	sshll.u32 s5, $0x1;
	s5 =	sadd.s32 s21, s3  }
0x9d: {  	[timem:s7], [sflag:s22] =	dma.local [hbm:s5], s20  }
0x9e: {  	_ =	swait.ge [sflag:s22], s20  }
0x9f: {  	s4 =	ssub.s32 $0x0, s20;
	[sflag:s22] =	ssyncset.done $0x0  }
0xa0: {  	[sflag:s22] =	ssyncadd.s32 s4;
	_ =	sdelay $0x1  }
0xa1: {  	s23 =	simm.s32 $0x1B8B  }
0xa2: {  	_ =	swait.ge [sflag:s23], $0x1  }
0xa3: {  	[sflag:s23] =	ssyncset.done $0x0  }
0xa4: {  	s25 =	simm.s32 $0x1B8E;
	s24 =	sld [smem:$0x3FFE];
	[sflag:s23] =	ssyncadd.s32 $0xFFFFFFFF  }
0xa5: {  	s26 =	simm.s32 $execute0_lowered;
	[smem:$0x3FD2] =	sst s25  }
0xa6: {  	s5 =	sshll.u32 s26, $0x1;
	_ =	strace $0x80000046;
	[dreg:$0x1] =	wrdreg $0xFFFFFFFF  }
0xa7: {  	s28 =	simm.s32 $_size_execute0_lowered;
	s3 =	sadd.s32 s3, s5;
	[dreg:$0x0] =	wrdreg $0x0  }
0xa8: {  	s5 =	sshll.u32 s28, $0x1;
	[dreg:$0x2] =	wrdreg s3  }
0xa9: {  	[dreg:$0x3] =	wrdreg s5  }
0xaa: {  	[dreg:$0x4] =	wrdreg $0xC0  }
0xab: {  	_ =	task [dreg:s7], $0x5FFFF  }
0xac: {  	[dreg:$0x1] =	wrdreg $0xFFFFFFFF  }
0xad: {  	[dreg:$0x0] =	wrdreg $0x60  }
0xae: {  	[dreg:$0x2] =	wrdreg s2  }
0xaf: {  	[dreg:$0x3] =	wrdreg s24  }
0xb0: {  	[dreg:$0x4] =	wrdreg $0x9  }
0xb1: {  	_ =	task.clear_ibuf [dreg:s7], $0x5FFFF;
	_ =	strace $0x90000046  }
0xb2: {  	s29 =	simm.s32 $0x9;
	_ =	strace $0x80000048  }
0xb3: {  	_ =	swait.ge [sflag:s29], $0x1  }
0xb4: {  	[sflag:s29] =	ssyncadd.s32 $0xFFFFFFFF  }
0xb5: {  	_ =	strace $0x90000048  }
0xb6: {  	_ =	sfence  }
0xb7: {  	s30 =	sld [smem:$0x0];
	_ =	sdelay $0x2  }
0xb8: {  	s31 =	sshll.u32 s1, $0xD;
	s1 =	sshrl.u32 s1, $0x2  }
0xb9: {  	s3 =	sand.u32 $0x4000, s31;
	s1 =	sadd.s32 s1, s30  }
0xba: {  	s0 =	sor.u32 s3, s0;
	s1 =	sshll.u32 s1, $0x11  }
0xbb: {  	s0 =	sor.u32 s1, s0  }
0xbc: {  	s0 =	sadd.s32 $0x8F2B, s0  }
0xbd: {  	[sflag:s0] =	ssyncadd.remote.s32 $0x1  }
0xbe: {  	_ =	sfence.sel $0xFFFF  }
0xbf: {  	[dreg:$0x0] =	wrdreg $0xFFFFFFFF;
	(pc) =	sbr.abs _section_cstart, $3  }
0xc0: {  	[dreg:$0x1] =	wrdreg $0xFFFFFFFF  }
0xc1: {  	_ =	task.clear_ibuf [dreg:s7], $0x2FFFF;
	_ =	strace $0x9FFFFFFF  }
0xc2: {  	(tm) =	ssettm $0x7FFFFFFF  }
0xc3: {  	_ =	shalt  }
tec
execute0_lowered:
.L_overlay_start_1:
0x0: {  	(tag) =	ssettag $0x1  }
0x1: {  	s2 =	rddreg [dreg:$0x0]  }
0x2: {  	s0 =	rddreg [dreg:$0x1]  }
0x3: {  	s4 =	srdreg.scid;
	s1 =	stileid.u32;
	s3 =	simm.s32 $0x0  }
0x4: {  	s11 =	simm.s32 $0x2;
	s12 =	simm.s32 $0x8200;
	s13 =	simm.s32 $0x200  }
0x5: {  	s14 =	simm.s32 $0xA00;
	s15 =	simm.s32 $0x1200;
	s16 =	simm.s32 $0x1A00  }
0x6: {  	s17 =	simm.s32 $0x2200;
	s18 =	simm.s32 $0x2A00;
	s19 =	simm.s32 $0x3200  }
0x7: {  	s20 =	simm.s32 $0x3A00;
	s21 =	simm.s32 $0x4200;
	s28 =	simm.s32 $0x7200  }
0x8: {  	s29 =	simm.s32 $0x7A00;
	s30 =	simm.s32 $0x1;
	s31 =	simm.s32 $0x80  }
0x9: {  	s4 =	sand.u32 $0x1, s4;
	s5 =	sshll.u32 s1, $0x1;
	[smem:$0x7FF] =	sst s3  }
0xa: {  	s7 =	sadd.s32 $0x1600, s0;
	s8 =	sshll.u32 s1, $0xB;
	s5 =	sor.u32 s4, s5  }
0xb: {  	_ =	strace $0x80000047;
	[dreg:$0x3] =	wrdreg s7;
	s4 =	ssub.s32 $0x2, s4  }
0xc: {  	s23 =	sand.u32 $0x6000, s8;
	s6 =	sshll.u32 s5, $0x6;
	s22 =	sshll.u32 s5, $0xE  }
0xd: {  	s24 =	sshrl.u32 s4, $0x1;
	s25 =	sshll.u32 s5, $0x4;
	s6 =	sadd.s32 s6, s0  }
0xe: {  	s9 =	sadd.s32 s22, s0;
	s0 =	sadd.s32 s23, s0;
	s10 =	ssub.s32 s4, s24  }
0xf: {  	s26 =	sand.u32 $0x70, s25;
	s22 =	simm.s32 $0x4A00;
	s23 =	simm.s32 $0x5200  }
0x10: {  	s24 =	simm.s32 $0x5A00;
	s25 =	simm.s32 $0x6200;
	s4 =	sadd.s32 $0xE00, s6  }
0x11: {  	v3 =	vlaneseq.u32;
	s5 =	sadd.s32 $0x9A00, s9;
	s6 =	sadd.s32 $0xAA00, s9;
	s7 =	sadd.s32 $0xBA00, s9  }
0x12: {  	v0 =	vimm.s32 $0x1;
	vm0 =	vmmov $0xffff;
	v2 =	vshrl.u32 v3, $0x3;
	s0 =	sadd.s32 s26, s0;
	s8 =	sadd.s32 $0xCA00, s9;
	s10 =	smax.u32 s10, $0x1  }
0x13: {  	v1 =	vand.u32 $0x7, v3;
	v3 =	vor.u32 $0x8, v3;
	v2 =	vmul.u32 $0x8, v2;
	s26 =	simm.s32 $0x6A00;
	s9 =	sadd.s32 $0x1A00, s0;
	s0 =	simm.s32 $0x400  }
.LBB2_1:
0x14: {  	[tilespmem:s3], [sflag:$0x2] =	stream.linear.gather [hbm4b:s4+s3], $0x200, $0x38;
	[tilespmem:$0xA200] =	vst v63  }
0x15: {  	_ =	swait.ge [sflag:s11], $0x200  }
0x16: {  	[sflag:s11] =	ssyncset.done $0x0  }
0x17: {  	s1 =	rddreg [dreg:$0x3];
	[sflag:s11] =	ssyncadd.s32 $0xFFFFFE00  }
0x18: {  	[tilespmem:s12], [sflag:$0x2] =	stream.linear.gather [hbm4b:s1+s3], $0x2000, $0x38;
	[tilespmem:$0xA200] =	vst v63  }
0x19: {  	_ =	swait.ge [sflag:s11], $0x2000  }
0x1a: {  	[sflag:s11] =	ssyncset.done $0x0  }
0x1b: {  	[sflag:s11] =	ssyncadd.s32 $0xFFFFE000  }
0x1c: {  	v4 =	vld [tilespmem:$0x0];
	_ =	sdelay $0x4  }
0x1d: {  	v5 =	vshll.u32 v4, $0x1  }
0x1e: {  	v4 =	vand.u32 $0x7, v4;
	v5 =	vand.u32 $0xFFFFFFF0, v5  }
0x1f: {  	v4 =	vor.u32 v4, v5  }
0x20: {  	v5 =	vperm.xlane v4, v1;
	_ =	sdelay $0x1  }
0x21: {  	v4 =	vperm.xlane v4, v3;
	v5 =	vadd.s32 v2, v5;
	_ =	sdelay $0x1  }
0x22: {  	v4 =	vadd.s32 v2, v4;
	_ =	sdelay $0x2  }
0x23: {  	[tilespmem:s13], [sflag:$0x1] =	stream.indirect_vreg.gather [hbm4b:s2+s3], $0x80, v5, vm0, $0xb8;
	[tilespmem:$0xA200] =	vst v63  }
0x24: {  	_ = 	snop  }
0x25: {  	[tilespmem:s14], [sflag:$0x1] =	stream.indirect_vreg.gather [hbm4b:s2+s3], $0x80, v4, vm0, $0xb8;
	[tilespmem:$0xA200] =	vst v63  }
0x26: {  	v4 =	vld [tilespmem:$0x10];
	_ =	sdelay $0x4  }
0x27: {  	v5 =	vshll.u32 v4, $0x1  }
0x28: {  	v4 =	vand.u32 $0x7, v4;
	v5 =	vand.u32 $0xFFFFFFF0, v5  }
0x29: {  	v4 =	vor.u32 v4, v5  }
0x2a: {  	v5 =	vperm.xlane v4, v1;
	_ =	sdelay $0x1  }
0x2b: {  	v4 =	vperm.xlane v4, v3;
	v5 =	vadd.s32 v2, v5;
	_ =	sdelay $0x1  }
0x2c: {  	v4 =	vadd.s32 v2, v4;
	_ =	sdelay $0x2  }
0x2d: {  	[tilespmem:s15], [sflag:$0x1] =	stream.indirect_vreg.gather [hbm4b:s2+s3], $0x80, v5, vm0, $0xb8;
	[tilespmem:$0xA200] =	vst v63  }
0x2e: {  	_ = 	snop  }
0x2f: {  	[tilespmem:s16], [sflag:$0x1] =	stream.indirect_vreg.gather [hbm4b:s2+s3], $0x80, v4, vm0, $0xb8;
	[tilespmem:$0xA200] =	vst v63  }
0x30: {  	v4 =	vld [tilespmem:$0x20];
	_ =	sdelay $0x4  }
0x31: {  	v5 =	vshll.u32 v4, $0x1  }
0x32: {  	v4 =	vand.u32 $0x7, v4;
	v5 =	vand.u32 $0xFFFFFFF0, v5  }
0x33: {  	v4 =	vor.u32 v4, v5  }
0x34: {  	v5 =	vperm.xlane v4, v1;
	_ =	sdelay $0x1  }
0x35: {  	v4 =	vperm.xlane v4, v3;
	v5 =	vadd.s32 v2, v5;
	_ =	sdelay $0x1  }
0x36: {  	v4 =	vadd.s32 v2, v4;
	_ =	sdelay $0x2  }
0x37: {  	[tilespmem:s17], [sflag:$0x1] =	stream.indirect_vreg.gather [hbm4b:s2+s3], $0x80, v5, vm0, $0xb8;
	[tilespmem:$0xA200] =	vst v63  }
0x38: {  	_ = 	snop  }
0x39: {  	[tilespmem:s18], [sflag:$0x1] =	stream.indirect_vreg.gather [hbm4b:s2+s3], $0x80, v4, vm0, $0xb8;
	[tilespmem:$0xA200] =	vst v63  }
0x3a: {  	v4 =	vld [tilespmem:$0x30];
	_ =	sdelay $0x4  }
0x3b: {  	v5 =	vshll.u32 v4, $0x1  }
0x3c: {  	v4 =	vand.u32 $0x7, v4;
	v5 =	vand.u32 $0xFFFFFFF0, v5  }
0x3d: {  	v4 =	vor.u32 v4, v5  }
0x3e: {  	v5 =	vperm.xlane v4, v1;
	_ =	sdelay $0x1  }
0x3f: {  	v4 =	vperm.xlane v4, v3;
	v5 =	vadd.s32 v2, v5;
	_ =	sdelay $0x1  }
0x40: {  	v4 =	vadd.s32 v2, v4;
	_ =	sdelay $0x2  }
0x41: {  	[tilespmem:s19], [sflag:$0x1] =	stream.indirect_vreg.gather [hbm4b:s2+s3], $0x80, v5, vm0, $0xb8;
	[tilespmem:$0xA200] =	vst v63  }
0x42: {  	_ = 	snop  }
0x43: {  	[tilespmem:s20], [sflag:$0x1] =	stream.indirect_vreg.gather [hbm4b:s2+s3], $0x80, v4, vm0, $0xb8;
	[tilespmem:$0xA200] =	vst v63  }
0x44: {  	v4 =	vld [tilespmem:$0x40];
	_ =	sdelay $0x4  }
0x45: {  	v5 =	vshll.u32 v4, $0x1  }
0x46: {  	v4 =	vand.u32 $0x7, v4;
	v5 =	vand.u32 $0xFFFFFFF0, v5  }
0x47: {  	v4 =	vor.u32 v4, v5  }
0x48: {  	v5 =	vperm.xlane v4, v1;
	_ =	sdelay $0x1  }
0x49: {  	v4 =	vperm.xlane v4, v3;
	v5 =	vadd.s32 v2, v5;
	_ =	sdelay $0x1  }
0x4a: {  	v4 =	vadd.s32 v2, v4;
	_ =	sdelay $0x2  }
0x4b: {  	[tilespmem:s21], [sflag:$0x1] =	stream.indirect_vreg.gather [hbm4b:s2+s3], $0x80, v5, vm0, $0xb8;
	[tilespmem:$0xA200] =	vst v63  }
0x4c: {  	_ = 	snop  }
0x4d: {  	[tilespmem:s22], [sflag:$0x1] =	stream.indirect_vreg.gather [hbm4b:s2+s3], $0x80, v4, vm0, $0xb8;
	[tilespmem:$0xA200] =	vst v63  }
0x4e: {  	v4 =	vld [tilespmem:$0x50];
	_ =	sdelay $0x4  }
0x4f: {  	v5 =	vshll.u32 v4, $0x1  }
0x50: {  	v4 =	vand.u32 $0x7, v4;
	v5 =	vand.u32 $0xFFFFFFF0, v5  }
0x51: {  	v4 =	vor.u32 v4, v5  }
0x52: {  	v5 =	vperm.xlane v4, v1;
	_ =	sdelay $0x1  }
0x53: {  	v4 =	vperm.xlane v4, v3;
	v5 =	vadd.s32 v2, v5;
	_ =	sdelay $0x1  }
0x54: {  	v4 =	vadd.s32 v2, v4;
	_ =	sdelay $0x2  }
0x55: {  	[tilespmem:s23], [sflag:$0x1] =	stream.indirect_vreg.gather [hbm4b:s2+s3], $0x80, v5, vm0, $0xb8;
	[tilespmem:$0xA200] =	vst v63  }
0x56: {  	_ = 	snop  }
0x57: {  	[tilespmem:s24], [sflag:$0x1] =	stream.indirect_vreg.gather [hbm4b:s2+s3], $0x80, v4, vm0, $0xb8;
	[tilespmem:$0xA200] =	vst v63  }
0x58: {  	v4 =	vld [tilespmem:$0x60];
	_ =	sdelay $0x4  }
0x59: {  	v5 =	vshll.u32 v4, $0x1  }
0x5a: {  	v4 =	vand.u32 $0x7, v4;
	v5 =	vand.u32 $0xFFFFFFF0, v5  }
0x5b: {  	v4 =	vor.u32 v4, v5  }
0x5c: {  	v5 =	vperm.xlane v4, v1;
	_ =	sdelay $0x1  }
0x5d: {  	v4 =	vperm.xlane v4, v3;
	v5 =	vadd.s32 v2, v5;
	_ =	sdelay $0x1  }
0x5e: {  	v4 =	vadd.s32 v2, v4;
	_ =	sdelay $0x2  }
0x5f: {  	[tilespmem:s25], [sflag:$0x1] =	stream.indirect_vreg.gather [hbm4b:s2+s3], $0x80, v5, vm0, $0xb8;
	[tilespmem:$0xA200] =	vst v63  }
0x60: {  	_ = 	snop  }
0x61: {  	[tilespmem:s26], [sflag:$0x1] =	stream.indirect_vreg.gather [hbm4b:s2+s3], $0x80, v4, vm0, $0xb8;
	[tilespmem:$0xA200] =	vst v63  }
0x62: {  	v4 =	vld [tilespmem:$0x70];
	_ =	sdelay $0x4  }
0x63: {  	v5 =	vshll.u32 v4, $0x1  }
0x64: {  	v4 =	vand.u32 $0x7, v4;
	v5 =	vand.u32 $0xFFFFFFF0, v5  }
0x65: {  	v4 =	vor.u32 v4, v5  }
0x66: {  	v5 =	vperm.xlane v4, v1;
	_ =	sdelay $0x1  }
0x67: {  	v4 =	vperm.xlane v4, v3;
	v5 =	vadd.s32 v2, v5;
	_ =	sdelay $0x1  }
0x68: {  	v4 =	vadd.s32 v2, v4;
	_ =	sdelay $0x2  }
0x69: {  	[tilespmem:s28], [sflag:$0x1] =	stream.indirect_vreg.gather [hbm4b:s2+s3], $0x80, v5, vm0, $0xb8;
	[tilespmem:$0xA200] =	vst v63  }
0x6a: {  	_ = 	snop  }
0x6b: {  	[tilespmem:s29], [sflag:$0x1] =	stream.indirect_vreg.gather [hbm4b:s2+s3], $0x80, v4, vm0, $0xb8;
	[tilespmem:$0xA200] =	vst v63  }
0x6c: {  	_ =	swait.ge [sflag:s30], $0x8000  }
0x6d: {  	[sflag:s30] =	ssyncset.done $0x0  }
0x6e: {  	[sflag:s30] =	ssyncadd.s32 $0xFFFF8000  }
0x6f: {  	[hbm4b:s5+s3] =	stream.linear.scatter [tilespmem:s13], [sflag:$0x2], $0x8000, $0x38;
	[tilespmem:$0xA200] =	vst v63  }
0x70: {  	_ =	swait.ge [sflag:s11], $0x8000  }
0x71: {  	[sflag:s11] =	ssyncset.done $0x0  }
0x72: {  	[sflag:s11] =	ssyncadd.s32 $0xFFFF8000  }
0x73: {  	v4 =	vld [tilespmem:$0x80];
	_ =	sdelay $0x4  }
0x74: {  	v5 =	vshll.u32 v4, $0x1  }
0x75: {  	v4 =	vand.u32 $0x7, v4;
	v5 =	vand.u32 $0xFFFFFFF0, v5  }
0x76: {  	v4 =	vor.u32 v4, v5  }
0x77: {  	v5 =	vperm.xlane v4, v1;
	_ =	sdelay $0x1  }
0x78: {  	v4 =	vperm.xlane v4, v3;
	v5 =	vadd.s32 v2, v5;
	_ =	sdelay $0x1  }
0x79: {  	v4 =	vadd.s32 v2, v4;
	_ =	sdelay $0x2  }
0x7a: {  	[tilespmem:s13], [sflag:$0x1] =	stream.indirect_vreg.gather [hbm4b:s2+s3], $0x80, v5, vm0, $0xb8;
	[tilespmem:$0xA200] =	vst v63  }
0x7b: {  	_ = 	snop  }
0x7c: {  	[tilespmem:s14], [sflag:$0x1] =	stream.indirect_vreg.gather [hbm4b:s2+s3], $0x80, v4, vm0, $0xb8;
	[tilespmem:$0xA200] =	vst v63  }
0x7d: {  	v4 =	vld [tilespmem:$0x90];
	_ =	sdelay $0x4  }
0x7e: {  	v5 =	vshll.u32 v4, $0x1  }
0x7f: {  	v4 =	vand.u32 $0x7, v4;
	v5 =	vand.u32 $0xFFFFFFF0, v5  }
0x80: {  	v4 =	vor.u32 v4, v5  }
0x81: {  	v5 =	vperm.xlane v4, v1;
	_ =	sdelay $0x1  }
0x82: {  	v4 =	vperm.xlane v4, v3;
	v5 =	vadd.s32 v2, v5;
	_ =	sdelay $0x1  }
0x83: {  	v4 =	vadd.s32 v2, v4;
	_ =	sdelay $0x2  }
0x84: {  	[tilespmem:s15], [sflag:$0x1] =	stream.indirect_vreg.gather [hbm4b:s2+s3], $0x80, v5, vm0, $0xb8;
	[tilespmem:$0xA200] =	vst v63  }
0x85: {  	_ = 	snop  }
0x86: {  	[tilespmem:s16], [sflag:$0x1] =	stream.indirect_vreg.gather [hbm4b:s2+s3], $0x80, v4, vm0, $0xb8;
	[tilespmem:$0xA200] =	vst v63  }
0x87: {  	v4 =	vld [tilespmem:$0xA0];
	_ =	sdelay $0x4  }
0x88: {  	v5 =	vshll.u32 v4, $0x1  }
0x89: {  	v4 =	vand.u32 $0x7, v4;
	v5 =	vand.u32 $0xFFFFFFF0, v5  }
0x8a: {  	v4 =	vor.u32 v4, v5  }
0x8b: {  	v5 =	vperm.xlane v4, v1;
	_ =	sdelay $0x1  }
0x8c: {  	v4 =	vperm.xlane v4, v3;
	v5 =	vadd.s32 v2, v5;
	_ =	sdelay $0x1  }
0x8d: {  	v4 =	vadd.s32 v2, v4;
	_ =	sdelay $0x2  }
0x8e: {  	[tilespmem:s17], [sflag:$0x1] =	stream.indirect_vreg.gather [hbm4b:s2+s3], $0x80, v5, vm0, $0xb8;
	[tilespmem:$0xA200] =	vst v63  }
0x8f: {  	_ = 	snop  }
0x90: {  	[tilespmem:s18], [sflag:$0x1] =	stream.indirect_vreg.gather [hbm4b:s2+s3], $0x80, v4, vm0, $0xb8;
	[tilespmem:$0xA200] =	vst v63  }
0x91: {  	v4 =	vld [tilespmem:$0xB0];
	_ =	sdelay $0x4  }
0x92: {  	v5 =	vshll.u32 v4, $0x1  }
0x93: {  	v4 =	vand.u32 $0x7, v4;
	v5 =	vand.u32 $0xFFFFFFF0, v5  }
0x94: {  	v4 =	vor.u32 v4, v5  }
0x95: {  	v5 =	vperm.xlane v4, v1;
	_ =	sdelay $0x1  }
0x96: {  	v4 =	vperm.xlane v4, v3;
	v5 =	vadd.s32 v2, v5;
	_ =	sdelay $0x1  }
0x97: {  	v4 =	vadd.s32 v2, v4;
	_ =	sdelay $0x2  }
0x98: {  	[tilespmem:s19], [sflag:$0x1] =	stream.indirect_vreg.gather [hbm4b:s2+s3], $0x80, v5, vm0, $0xb8;
	[tilespmem:$0xA200] =	vst v63  }
0x99: {  	_ = 	snop  }
0x9a: {  	[tilespmem:s20], [sflag:$0x1] =	stream.indirect_vreg.gather [hbm4b:s2+s3], $0x80, v4, vm0, $0xb8;
	[tilespmem:$0xA200] =	vst v63  }
0x9b: {  	v4 =	vld [tilespmem:$0xC0];
	_ =	sdelay $0x4  }
0x9c: {  	v5 =	vshll.u32 v4, $0x1  }
0x9d: {  	v4 =	vand.u32 $0x7, v4;
	v5 =	vand.u32 $0xFFFFFFF0, v5  }
0x9e: {  	v4 =	vor.u32 v4, v5  }
0x9f: {  	v5 =	vperm.xlane v4, v1;
	_ =	sdelay $0x1  }
0xa0: {  	v4 =	vperm.xlane v4, v3;
	v5 =	vadd.s32 v2, v5;
	_ =	sdelay $0x1  }
0xa1: {  	v4 =	vadd.s32 v2, v4;
	_ =	sdelay $0x2  }
0xa2: {  	[tilespmem:s21], [sflag:$0x1] =	stream.indirect_vreg.gather [hbm4b:s2+s3], $0x80, v5, vm0, $0xb8;
	[tilespmem:$0xA200] =	vst v63  }
0xa3: {  	_ = 	snop  }
0xa4: {  	[tilespmem:s22], [sflag:$0x1] =	stream.indirect_vreg.gather [hbm4b:s2+s3], $0x80, v4, vm0, $0xb8;
	[tilespmem:$0xA200] =	vst v63  }
0xa5: {  	v4 =	vld [tilespmem:$0xD0];
	_ =	sdelay $0x4  }
0xa6: {  	v5 =	vshll.u32 v4, $0x1  }
0xa7: {  	v4 =	vand.u32 $0x7, v4;
	v5 =	vand.u32 $0xFFFFFFF0, v5  }
0xa8: {  	v4 =	vor.u32 v4, v5  }
0xa9: {  	v5 =	vperm.xlane v4, v1;
	_ =	sdelay $0x1  }
0xaa: {  	v4 =	vperm.xlane v4, v3;
	v5 =	vadd.s32 v2, v5;
	_ =	sdelay $0x1  }
0xab: {  	v4 =	vadd.s32 v2, v4;
	_ =	sdelay $0x2  }
0xac: {  	[tilespmem:s23], [sflag:$0x1] =	stream.indirect_vreg.gather [hbm4b:s2+s3], $0x80, v5, vm0, $0xb8;
	[tilespmem:$0xA200] =	vst v63  }
0xad: {  	_ = 	snop  }
0xae: {  	[tilespmem:s24], [sflag:$0x1] =	stream.indirect_vreg.gather [hbm4b:s2+s3], $0x80, v4, vm0, $0xb8;
	[tilespmem:$0xA200] =	vst v63  }
0xaf: {  	v4 =	vld [tilespmem:$0xE0];
	_ =	sdelay $0x4  }
0xb0: {  	v5 =	vshll.u32 v4, $0x1  }
0xb1: {  	v4 =	vand.u32 $0x7, v4;
	v5 =	vand.u32 $0xFFFFFFF0, v5  }
0xb2: {  	v4 =	vor.u32 v4, v5  }
0xb3: {  	v5 =	vperm.xlane v4, v1;
	_ =	sdelay $0x1  }
0xb4: {  	v4 =	vperm.xlane v4, v3;
	v5 =	vadd.s32 v2, v5;
	_ =	sdelay $0x1  }
0xb5: {  	v4 =	vadd.s32 v2, v4;
	_ =	sdelay $0x2  }
0xb6: {  	[tilespmem:s25], [sflag:$0x1] =	stream.indirect_vreg.gather [hbm4b:s2+s3], $0x80, v5, vm0, $0xb8;
	[tilespmem:$0xA200] =	vst v63  }
0xb7: {  	_ = 	snop  }
0xb8: {  	[tilespmem:s26], [sflag:$0x1] =	stream.indirect_vreg.gather [hbm4b:s2+s3], $0x80, v4, vm0, $0xb8;
	[tilespmem:$0xA200] =	vst v63  }
0xb9: {  	v4 =	vld [tilespmem:$0xF0];
	_ =	sdelay $0x4  }
0xba: {  	v5 =	vshll.u32 v4, $0x1  }
0xbb: {  	v4 =	vand.u32 $0x7, v4;
	v5 =	vand.u32 $0xFFFFFFF0, v5  }
0xbc: {  	v4 =	vor.u32 v4, v5  }
0xbd: {  	v5 =	vperm.xlane v4, v1;
	_ =	sdelay $0x1  }
0xbe: {  	v4 =	vperm.xlane v4, v3;
	v5 =	vadd.s32 v2, v5;
	_ =	sdelay $0x1  }
0xbf: {  	v4 =	vadd.s32 v2, v4;
	_ =	sdelay $0x2  }
0xc0: {  	[tilespmem:s28], [sflag:$0x1] =	stream.indirect_vreg.gather [hbm4b:s2+s3], $0x80, v5, vm0, $0xb8;
	[tilespmem:$0xA200] =	vst v63  }
0xc1: {  	_ = 	snop  }
0xc2: {  	[tilespmem:s29], [sflag:$0x1] =	stream.indirect_vreg.gather [hbm4b:s2+s3], $0x80, v4, vm0, $0xb8;
	[tilespmem:$0xA200] =	vst v63  }
0xc3: {  	_ =	swait.ge [sflag:s30], $0x8000  }
0xc4: {  	[sflag:s30] =	ssyncset.done $0x0  }
0xc5: {  	[sflag:s30] =	ssyncadd.s32 $0xFFFF8000  }
0xc6: {  	[hbm4b:s6+s3] =	stream.linear.scatter [tilespmem:s13], [sflag:$0x2], $0x8000, $0x38;
	[tilespmem:$0xA200] =	vst v63  }
0xc7: {  	_ =	swait.ge [sflag:s11], $0x8000  }
0xc8: {  	[sflag:s11] =	ssyncset.done $0x0  }
0xc9: {  	[sflag:s11] =	ssyncadd.s32 $0xFFFF8000  }
0xca: {  	v4 =	vld [tilespmem:$0x100];
	_ =	sdelay $0x4  }
0xcb: {  	v5 =	vshll.u32 v4, $0x1  }
0xcc: {  	v4 =	vand.u32 $0x7, v4;
	v5 =	vand.u32 $0xFFFFFFF0, v5  }
0xcd: {  	v4 =	vor.u32 v4, v5  }
0xce: {  	v5 =	vperm.xlane v4, v1;
	_ =	sdelay $0x1  }
0xcf: {  	v4 =	vperm.xlane v4, v3;
	v5 =	vadd.s32 v2, v5;
	_ =	sdelay $0x1  }
0xd0: {  	v4 =	vadd.s32 v2, v4;
	_ =	sdelay $0x2  }
0xd1: {  	[tilespmem:s13], [sflag:$0x1] =	stream.indirect_vreg.gather [hbm4b:s2+s3], $0x80, v5, vm0, $0xb8;
	[tilespmem:$0xA200] =	vst v63  }
0xd2: {  	_ = 	snop  }
0xd3: {  	[tilespmem:s14], [sflag:$0x1] =	stream.indirect_vreg.gather [hbm4b:s2+s3], $0x80, v4, vm0, $0xb8;
	[tilespmem:$0xA200] =	vst v63  }
0xd4: {  	v4 =	vld [tilespmem:$0x110];
	_ =	sdelay $0x4  }
0xd5: {  	v5 =	vshll.u32 v4, $0x1  }
0xd6: {  	v4 =	vand.u32 $0x7, v4;
	v5 =	vand.u32 $0xFFFFFFF0, v5  }
0xd7: {  	v4 =	vor.u32 v4, v5  }
0xd8: {  	v5 =	vperm.xlane v4, v1;
	_ =	sdelay $0x1  }
0xd9: {  	v4 =	vperm.xlane v4, v3;
	v5 =	vadd.s32 v2, v5;
	_ =	sdelay $0x1  }
0xda: {  	v4 =	vadd.s32 v2, v4;
	_ =	sdelay $0x2  }
0xdb: {  	[tilespmem:s15], [sflag:$0x1] =	stream.indirect_vreg.gather [hbm4b:s2+s3], $0x80, v5, vm0, $0xb8;
	[tilespmem:$0xA200] =	vst v63  }
0xdc: {  	_ = 	snop  }
0xdd: {  	[tilespmem:s16], [sflag:$0x1] =	stream.indirect_vreg.gather [hbm4b:s2+s3], $0x80, v4, vm0, $0xb8;
	[tilespmem:$0xA200] =	vst v63  }
0xde: {  	v4 =	vld [tilespmem:$0x120];
	_ =	sdelay $0x4  }
0xdf: {  	v5 =	vshll.u32 v4, $0x1  }
0xe0: {  	v4 =	vand.u32 $0x7, v4;
	v5 =	vand.u32 $0xFFFFFFF0, v5  }
0xe1: {  	v4 =	vor.u32 v4, v5  }
0xe2: {  	v5 =	vperm.xlane v4, v1;
	_ =	sdelay $0x1  }
0xe3: {  	v4 =	vperm.xlane v4, v3;
	v5 =	vadd.s32 v2, v5;
	_ =	sdelay $0x1  }
0xe4: {  	v4 =	vadd.s32 v2, v4;
	_ =	sdelay $0x2  }
0xe5: {  	[tilespmem:s17], [sflag:$0x1] =	stream.indirect_vreg.gather [hbm4b:s2+s3], $0x80, v5, vm0, $0xb8;
	[tilespmem:$0xA200] =	vst v63  }
0xe6: {  	_ = 	snop  }
0xe7: {  	[tilespmem:s18], [sflag:$0x1] =	stream.indirect_vreg.gather [hbm4b:s2+s3], $0x80, v4, vm0, $0xb8;
	[tilespmem:$0xA200] =	vst v63  }
0xe8: {  	v4 =	vld [tilespmem:$0x130];
	_ =	sdelay $0x4  }
0xe9: {  	v5 =	vshll.u32 v4, $0x1  }
0xea: {  	v4 =	vand.u32 $0x7, v4;
	v5 =	vand.u32 $0xFFFFFFF0, v5  }
0xeb: {  	v4 =	vor.u32 v4, v5  }
0xec: {  	v5 =	vperm.xlane v4, v1;
	_ =	sdelay $0x1  }
0xed: {  	v4 =	vperm.xlane v4, v3;
	v5 =	vadd.s32 v2, v5;
	_ =	sdelay $0x1  }
0xee: {  	v4 =	vadd.s32 v2, v4;
	_ =	sdelay $0x2  }
0xef: {  	[tilespmem:s19], [sflag:$0x1] =	stream.indirect_vreg.gather [hbm4b:s2+s3], $0x80, v5, vm0, $0xb8;
	[tilespmem:$0xA200] =	vst v63  }
0xf0: {  	_ = 	snop  }
0xf1: {  	[tilespmem:s20], [sflag:$0x1] =	stream.indirect_vreg.gather [hbm4b:s2+s3], $0x80, v4, vm0, $0xb8;
	[tilespmem:$0xA200] =	vst v63  }
0xf2: {  	v4 =	vld [tilespmem:$0x140];
	_ =	sdelay $0x4  }
0xf3: {  	v5 =	vshll.u32 v4, $0x1  }
0xf4: {  	v4 =	vand.u32 $0x7, v4;
	v5 =	vand.u32 $0xFFFFFFF0, v5  }
0xf5: {  	v4 =	vor.u32 v4, v5  }
0xf6: {  	v5 =	vperm.xlane v4, v1;
	_ =	sdelay $0x1  }
0xf7: {  	v4 =	vperm.xlane v4, v3;
	v5 =	vadd.s32 v2, v5;
	_ =	sdelay $0x1  }
0xf8: {  	v4 =	vadd.s32 v2, v4;
	_ =	sdelay $0x2  }
0xf9: {  	[tilespmem:s21], [sflag:$0x1] =	stream.indirect_vreg.gather [hbm4b:s2+s3], $0x80, v5, vm0, $0xb8;
	[tilespmem:$0xA200] =	vst v63  }
0xfa: {  	_ = 	snop  }
0xfb: {  	[tilespmem:s22], [sflag:$0x1] =	stream.indirect_vreg.gather [hbm4b:s2+s3], $0x80, v4, vm0, $0xb8;
	[tilespmem:$0xA200] =	vst v63  }
0xfc: {  	v4 =	vld [tilespmem:$0x150];
	_ =	sdelay $0x4  }
0xfd: {  	v5 =	vshll.u32 v4, $0x1  }
0xfe: {  	v4 =	vand.u32 $0x7, v4;
	v5 =	vand.u32 $0xFFFFFFF0, v5  }
0xff: {  	v4 =	vor.u32 v4, v5  }
0x100: {  	v5 =	vperm.xlane v4, v1;
	_ =	sdelay $0x1  }
0x101: {  	v4 =	vperm.xlane v4, v3;
	v5 =	vadd.s32 v2, v5;
	_ =	sdelay $0x1  }
0x102: {  	v4 =	vadd.s32 v2, v4;
	_ =	sdelay $0x2  }
0x103: {  	[tilespmem:s23], [sflag:$0x1] =	stream.indirect_vreg.gather [hbm4b:s2+s3], $0x80, v5, vm0, $0xb8;
	[tilespmem:$0xA200] =	vst v63  }
0x104: {  	_ = 	snop  }
0x105: {  	[tilespmem:s24], [sflag:$0x1] =	stream.indirect_vreg.gather [hbm4b:s2+s3], $0x80, v4, vm0, $0xb8;
	[tilespmem:$0xA200] =	vst v63  }
0x106: {  	v4 =	vld [tilespmem:$0x160];
	_ =	sdelay $0x4  }
0x107: {  	v5 =	vshll.u32 v4, $0x1  }
0x108: {  	v4 =	vand.u32 $0x7, v4;
	v5 =	vand.u32 $0xFFFFFFF0, v5  }
0x109: {  	v4 =	vor.u32 v4, v5  }
0x10a: {  	v5 =	vperm.xlane v4, v1;
	_ =	sdelay $0x1  }
0x10b: {  	v4 =	vperm.xlane v4, v3;
	v5 =	vadd.s32 v2, v5;
	_ =	sdelay $0x1  }
0x10c: {  	v4 =	vadd.s32 v2, v4;
	_ =	sdelay $0x2  }
0x10d: {  	[tilespmem:s25], [sflag:$0x1] =	stream.indirect_vreg.gather [hbm4b:s2+s3], $0x80, v5, vm0, $0xb8;
	[tilespmem:$0xA200] =	vst v63  }
0x10e: {  	_ = 	snop  }
0x10f: {  	[tilespmem:s26], [sflag:$0x1] =	stream.indirect_vreg.gather [hbm4b:s2+s3], $0x80, v4, vm0, $0xb8;
	[tilespmem:$0xA200] =	vst v63  }
0x110: {  	v4 =	vld [tilespmem:$0x170];
	_ =	sdelay $0x4  }
0x111: {  	v5 =	vshll.u32 v4, $0x1  }
0x112: {  	v4 =	vand.u32 $0x7, v4;
	v5 =	vand.u32 $0xFFFFFFF0, v5  }
0x113: {  	v4 =	vor.u32 v4, v5  }
0x114: {  	v5 =	vperm.xlane v4, v1;
	_ =	sdelay $0x1  }
0x115: {  	v4 =	vperm.xlane v4, v3;
	v5 =	vadd.s32 v2, v5;
	_ =	sdelay $0x1  }
0x116: {  	v4 =	vadd.s32 v2, v4;
	_ =	sdelay $0x2  }
0x117: {  	[tilespmem:s28], [sflag:$0x1] =	stream.indirect_vreg.gather [hbm4b:s2+s3], $0x80, v5, vm0, $0xb8;
	[tilespmem:$0xA200] =	vst v63  }
0x118: {  	_ = 	snop  }
0x119: {  	[tilespmem:s29], [sflag:$0x1] =	stream.indirect_vreg.gather [hbm4b:s2+s3], $0x80, v4, vm0, $0xb8;
	[tilespmem:$0xA200] =	vst v63  }
0x11a: {  	_ =	swait.ge [sflag:s30], $0x8000  }
0x11b: {  	[sflag:s30] =	ssyncset.done $0x0  }
0x11c: {  	[sflag:s30] =	ssyncadd.s32 $0xFFFF8000  }
0x11d: {  	[hbm4b:s7+s3] =	stream.linear.scatter [tilespmem:s13], [sflag:$0x2], $0x8000, $0x38;
	[tilespmem:$0xA200] =	vst v63  }
0x11e: {  	_ =	swait.ge [sflag:s11], $0x8000  }
0x11f: {  	[sflag:s11] =	ssyncset.done $0x0  }
0x120: {  	[sflag:s11] =	ssyncadd.s32 $0xFFFF8000  }
0x121: {  	v4 =	vld [tilespmem:$0x180];
	_ =	sdelay $0x4  }
0x122: {  	v5 =	vshll.u32 v4, $0x1  }
0x123: {  	v4 =	vand.u32 $0x7, v4;
	v5 =	vand.u32 $0xFFFFFFF0, v5  }
0x124: {  	v4 =	vor.u32 v4, v5  }
0x125: {  	v5 =	vperm.xlane v4, v1;
	_ =	sdelay $0x1  }
0x126: {  	v4 =	vperm.xlane v4, v3;
	v5 =	vadd.s32 v2, v5;
	_ =	sdelay $0x1  }
0x127: {  	v4 =	vadd.s32 v2, v4;
	_ =	sdelay $0x2  }
0x128: {  	[tilespmem:s13], [sflag:$0x1] =	stream.indirect_vreg.gather [hbm4b:s2+s3], $0x80, v5, vm0, $0xb8;
	[tilespmem:$0xA200] =	vst v63  }
0x129: {  	_ = 	snop  }
0x12a: {  	[tilespmem:s14], [sflag:$0x1] =	stream.indirect_vreg.gather [hbm4b:s2+s3], $0x80, v4, vm0, $0xb8;
	[tilespmem:$0xA200] =	vst v63  }
0x12b: {  	v4 =	vld [tilespmem:$0x190];
	_ =	sdelay $0x4  }
0x12c: {  	v5 =	vshll.u32 v4, $0x1  }
0x12d: {  	v4 =	vand.u32 $0x7, v4;
	v5 =	vand.u32 $0xFFFFFFF0, v5  }
0x12e: {  	v4 =	vor.u32 v4, v5  }
0x12f: {  	v5 =	vperm.xlane v4, v1;
	_ =	sdelay $0x1  }
0x130: {  	v4 =	vperm.xlane v4, v3;
	v5 =	vadd.s32 v2, v5;
	_ =	sdelay $0x1  }
0x131: {  	v4 =	vadd.s32 v2, v4;
	_ =	sdelay $0x2  }
0x132: {  	[tilespmem:s15], [sflag:$0x1] =	stream.indirect_vreg.gather [hbm4b:s2+s3], $0x80, v5, vm0, $0xb8;
	[tilespmem:$0xA200] =	vst v63  }
0x133: {  	_ = 	snop  }
0x134: {  	[tilespmem:s16], [sflag:$0x1] =	stream.indirect_vreg.gather [hbm4b:s2+s3], $0x80, v4, vm0, $0xb8;
	[tilespmem:$0xA200] =	vst v63  }
0x135: {  	v4 =	vld [tilespmem:$0x1A0];
	_ =	sdelay $0x4  }
0x136: {  	v5 =	vshll.u32 v4, $0x1  }
0x137: {  	v4 =	vand.u32 $0x7, v4;
	v5 =	vand.u32 $0xFFFFFFF0, v5  }
0x138: {  	v4 =	vor.u32 v4, v5  }
0x139: {  	v5 =	vperm.xlane v4, v1;
	_ =	sdelay $0x1  }
0x13a: {  	v4 =	vperm.xlane v4, v3;
	v5 =	vadd.s32 v2, v5;
	_ =	sdelay $0x1  }
0x13b: {  	v4 =	vadd.s32 v2, v4;
	_ =	sdelay $0x2  }
0x13c: {  	[tilespmem:s17], [sflag:$0x1] =	stream.indirect_vreg.gather [hbm4b:s2+s3], $0x80, v5, vm0, $0xb8;
	[tilespmem:$0xA200] =	vst v63  }
0x13d: {  	_ = 	snop  }
0x13e: {  	[tilespmem:s18], [sflag:$0x1] =	stream.indirect_vreg.gather [hbm4b:s2+s3], $0x80, v4, vm0, $0xb8;
	[tilespmem:$0xA200] =	vst v63  }
0x13f: {  	v4 =	vld [tilespmem:$0x1B0];
	_ =	sdelay $0x4  }
0x140: {  	v5 =	vshll.u32 v4, $0x1  }
0x141: {  	v4 =	vand.u32 $0x7, v4;
	v5 =	vand.u32 $0xFFFFFFF0, v5  }
0x142: {  	v4 =	vor.u32 v4, v5  }
0x143: {  	v5 =	vperm.xlane v4, v1;
	_ =	sdelay $0x1  }
0x144: {  	v4 =	vperm.xlane v4, v3;
	v5 =	vadd.s32 v2, v5;
	_ =	sdelay $0x1  }
0x145: {  	v4 =	vadd.s32 v2, v4;
	_ =	sdelay $0x2  }
0x146: {  	[tilespmem:s19], [sflag:$0x1] =	stream.indirect_vreg.gather [hbm4b:s2+s3], $0x80, v5, vm0, $0xb8;
	[tilespmem:$0xA200] =	vst v63  }
0x147: {  	_ = 	snop  }
0x148: {  	[tilespmem:s20], [sflag:$0x1] =	stream.indirect_vreg.gather [hbm4b:s2+s3], $0x80, v4, vm0, $0xb8;
	[tilespmem:$0xA200] =	vst v63  }
0x149: {  	v4 =	vld [tilespmem:$0x1C0];
	_ =	sdelay $0x4  }
0x14a: {  	v5 =	vshll.u32 v4, $0x1  }
0x14b: {  	v4 =	vand.u32 $0x7, v4;
	v5 =	vand.u32 $0xFFFFFFF0, v5  }
0x14c: {  	v4 =	vor.u32 v4, v5  }
0x14d: {  	v5 =	vperm.xlane v4, v1;
	_ =	sdelay $0x1  }
0x14e: {  	v4 =	vperm.xlane v4, v3;
	v5 =	vadd.s32 v2, v5;
	_ =	sdelay $0x1  }
0x14f: {  	v4 =	vadd.s32 v2, v4;
	_ =	sdelay $0x2  }
0x150: {  	[tilespmem:s21], [sflag:$0x1] =	stream.indirect_vreg.gather [hbm4b:s2+s3], $0x80, v5, vm0, $0xb8;
	[tilespmem:$0xA200] =	vst v63  }
0x151: {  	_ = 	snop  }
0x152: {  	[tilespmem:s22], [sflag:$0x1] =	stream.indirect_vreg.gather [hbm4b:s2+s3], $0x80, v4, vm0, $0xb8;
	[tilespmem:$0xA200] =	vst v63  }
0x153: {  	v4 =	vld [tilespmem:$0x1D0];
	_ =	sdelay $0x4  }
0x154: {  	v5 =	vshll.u32 v4, $0x1  }
0x155: {  	v4 =	vand.u32 $0x7, v4;
	v5 =	vand.u32 $0xFFFFFFF0, v5  }
0x156: {  	v4 =	vor.u32 v4, v5  }
0x157: {  	v5 =	vperm.xlane v4, v1;
	_ =	sdelay $0x1  }
0x158: {  	v4 =	vperm.xlane v4, v3;
	v5 =	vadd.s32 v2, v5;
	_ =	sdelay $0x1  }
0x159: {  	v4 =	vadd.s32 v2, v4;
	_ =	sdelay $0x2  }
0x15a: {  	[tilespmem:s23], [sflag:$0x1] =	stream.indirect_vreg.gather [hbm4b:s2+s3], $0x80, v5, vm0, $0xb8;
	[tilespmem:$0xA200] =	vst v63  }
0x15b: {  	_ = 	snop  }
0x15c: {  	[tilespmem:s24], [sflag:$0x1] =	stream.indirect_vreg.gather [hbm4b:s2+s3], $0x80, v4, vm0, $0xb8;
	[tilespmem:$0xA200] =	vst v63  }
0x15d: {  	v4 =	vld [tilespmem:$0x1E0];
	_ =	sdelay $0x4  }
0x15e: {  	v5 =	vshll.u32 v4, $0x1  }
0x15f: {  	v4 =	vand.u32 $0x7, v4;
	v5 =	vand.u32 $0xFFFFFFF0, v5  }
0x160: {  	v4 =	vor.u32 v4, v5  }
0x161: {  	v5 =	vperm.xlane v4, v1;
	_ =	sdelay $0x1  }
0x162: {  	v4 =	vperm.xlane v4, v3;
	v5 =	vadd.s32 v2, v5;
	_ =	sdelay $0x1  }
0x163: {  	v4 =	vadd.s32 v2, v4;
	_ =	sdelay $0x2  }
0x164: {  	[tilespmem:s25], [sflag:$0x1] =	stream.indirect_vreg.gather [hbm4b:s2+s3], $0x80, v5, vm0, $0xb8;
	[tilespmem:$0xA200] =	vst v63  }
0x165: {  	_ = 	snop  }
0x166: {  	[tilespmem:s26], [sflag:$0x1] =	stream.indirect_vreg.gather [hbm4b:s2+s3], $0x80, v4, vm0, $0xb8;
	[tilespmem:$0xA200] =	vst v63  }
0x167: {  	v4 =	vld [tilespmem:$0x1F0];
	_ =	sdelay $0x4  }
0x168: {  	v5 =	vshll.u32 v4, $0x1  }
0x169: {  	v4 =	vand.u32 $0x7, v4;
	v5 =	vand.u32 $0xFFFFFFF0, v5  }
0x16a: {  	v4 =	vor.u32 v4, v5  }
0x16b: {  	v5 =	vperm.xlane v4, v1;
	_ =	sdelay $0x1  }
0x16c: {  	v4 =	vperm.xlane v4, v3;
	v5 =	vadd.s32 v2, v5;
	_ =	sdelay $0x1  }
0x16d: {  	v4 =	vadd.s32 v2, v4;
	_ =	sdelay $0x2  }
0x16e: {  	[tilespmem:s28], [sflag:$0x1] =	stream.indirect_vreg.gather [hbm4b:s2+s3], $0x80, v5, vm0, $0xb8;
	[tilespmem:$0xA200] =	vst v63  }
0x16f: {  	_ = 	snop  }
0x170: {  	[tilespmem:s29], [sflag:$0x1] =	stream.indirect_vreg.gather [hbm4b:s2+s3], $0x80, v4, vm0, $0xb8;
	[tilespmem:$0xA200] =	vst v63  }
0x171: {  	_ =	swait.ge [sflag:s30], $0x8000  }
0x172: {  	[sflag:s30] =	ssyncset.done $0x0  }
0x173: {  	[sflag:s30] =	ssyncadd.s32 $0xFFFF8000  }
0x174: {  	[hbm4b:s8+s3] =	stream.linear.scatter [tilespmem:s13], [sflag:$0x2], $0x8000, $0x38;
	[tilespmem:$0xA200] =	vst v63  }
0x175: {  	_ =	swait.ge [sflag:s11], $0x8000  }
0x176: {  	[sflag:s11] =	ssyncset.done $0x0  }
0x177: {  	[sflag:s11] =	ssyncadd.s32 $0xFFFF8000  }
0x178: {  	v4 =	vld [tilespmem:$0x0];
	_ =	sdelay $0x7  }
0x179: {  	[tilespmem:v4+s12+$0x0] =	vst.idx.add.s32.msk $0xffff, v0  }
0x17a: {  	v4 =	vld [tilespmem:$0x10];
	_ =	sdelay $0x7  }
0x17b: {  	[tilespmem:v4+s12+$0x0] =	vst.idx.add.s32.msk $0xffff, v0  }
0x17c: {  	v4 =	vld [tilespmem:$0x20];
	_ =	sdelay $0x7  }
0x17d: {  	[tilespmem:v4+s12+$0x0] =	vst.idx.add.s32.msk $0xffff, v0  }
0x17e: {  	v4 =	vld [tilespmem:$0x30];
	_ =	sdelay $0x7  }
0x17f: {  	[tilespmem:v4+s12+$0x0] =	vst.idx.add.s32.msk $0xffff, v0  }
0x180: {  	v4 =	vld [tilespmem:$0x40];
	_ =	sdelay $0x7  }
0x181: {  	[tilespmem:v4+s12+$0x0] =	vst.idx.add.s32.msk $0xffff, v0  }
0x182: {  	v4 =	vld [tilespmem:$0x50];
	_ =	sdelay $0x7  }
0x183: {  	[tilespmem:v4+s12+$0x0] =	vst.idx.add.s32.msk $0xffff, v0  }
0x184: {  	v4 =	vld [tilespmem:$0x60];
	_ =	sdelay $0x7  }
0x185: {  	[tilespmem:v4+s12+$0x0] =	vst.idx.add.s32.msk $0xffff, v0  }
0x186: {  	v4 =	vld [tilespmem:$0x70];
	_ =	sdelay $0x7  }
0x187: {  	[tilespmem:v4+s12+$0x0] =	vst.idx.add.s32.msk $0xffff, v0  }
0x188: {  	v4 =	vld [tilespmem:$0x80];
	_ =	sdelay $0x7  }
0x189: {  	[tilespmem:v4+s12+$0x0] =	vst.idx.add.s32.msk $0xffff, v0  }
0x18a: {  	v4 =	vld [tilespmem:$0x90];
	_ =	sdelay $0x7  }
0x18b: {  	[tilespmem:v4+s12+$0x0] =	vst.idx.add.s32.msk $0xffff, v0  }
0x18c: {  	v4 =	vld [tilespmem:$0xA0];
	_ =	sdelay $0x7  }
0x18d: {  	[tilespmem:v4+s12+$0x0] =	vst.idx.add.s32.msk $0xffff, v0  }
0x18e: {  	v4 =	vld [tilespmem:$0xB0];
	_ =	sdelay $0x7  }
0x18f: {  	[tilespmem:v4+s12+$0x0] =	vst.idx.add.s32.msk $0xffff, v0  }
0x190: {  	v4 =	vld [tilespmem:$0xC0];
	_ =	sdelay $0x7  }
0x191: {  	[tilespmem:v4+s12+$0x0] =	vst.idx.add.s32.msk $0xffff, v0  }
0x192: {  	v4 =	vld [tilespmem:$0xD0];
	_ =	sdelay $0x7  }
0x193: {  	[tilespmem:v4+s12+$0x0] =	vst.idx.add.s32.msk $0xffff, v0  }
0x194: {  	v4 =	vld [tilespmem:$0xE0];
	_ =	sdelay $0x7  }
0x195: {  	[tilespmem:v4+s12+$0x0] =	vst.idx.add.s32.msk $0xffff, v0  }
0x196: {  	v4 =	vld [tilespmem:$0xF0];
	_ =	sdelay $0x7  }
0x197: {  	[tilespmem:v4+s12+$0x0] =	vst.idx.add.s32.msk $0xffff, v0  }
0x198: {  	v4 =	vld [tilespmem:$0x100];
	_ =	sdelay $0x7  }
0x199: {  	[tilespmem:v4+s12+$0x0] =	vst.idx.add.s32.msk $0xffff, v0  }
0x19a: {  	v4 =	vld [tilespmem:$0x110];
	_ =	sdelay $0x7  }
0x19b: {  	[tilespmem:v4+s12+$0x0] =	vst.idx.add.s32.msk $0xffff, v0  }
0x19c: {  	v4 =	vld [tilespmem:$0x120];
	_ =	sdelay $0x7  }
0x19d: {  	[tilespmem:v4+s12+$0x0] =	vst.idx.add.s32.msk $0xffff, v0  }
0x19e: {  	v4 =	vld [tilespmem:$0x130];
	_ =	sdelay $0x7  }
0x19f: {  	[tilespmem:v4+s12+$0x0] =	vst.idx.add.s32.msk $0xffff, v0  }
0x1a0: {  	v4 =	vld [tilespmem:$0x140];
	_ =	sdelay $0x7  }
0x1a1: {  	[tilespmem:v4+s12+$0x0] =	vst.idx.add.s32.msk $0xffff, v0  }
0x1a2: {  	v4 =	vld [tilespmem:$0x150];
	_ =	sdelay $0x7  }
0x1a3: {  	[tilespmem:v4+s12+$0x0] =	vst.idx.add.s32.msk $0xffff, v0  }
0x1a4: {  	v4 =	vld [tilespmem:$0x160];
	_ =	sdelay $0x7  }
0x1a5: {  	[tilespmem:v4+s12+$0x0] =	vst.idx.add.s32.msk $0xffff, v0  }
0x1a6: {  	v4 =	vld [tilespmem:$0x170];
	_ =	sdelay $0x7  }
0x1a7: {  	[tilespmem:v4+s12+$0x0] =	vst.idx.add.s32.msk $0xffff, v0  }
0x1a8: {  	v4 =	vld [tilespmem:$0x180];
	_ =	sdelay $0x7  }
0x1a9: {  	[tilespmem:v4+s12+$0x0] =	vst.idx.add.s32.msk $0xffff, v0  }
0x1aa: {  	v4 =	vld [tilespmem:$0x190];
	_ =	sdelay $0x7  }
0x1ab: {  	[tilespmem:v4+s12+$0x0] =	vst.idx.add.s32.msk $0xffff, v0  }
0x1ac: {  	v4 =	vld [tilespmem:$0x1A0];
	_ =	sdelay $0x7  }
0x1ad: {  	[tilespmem:v4+s12+$0x0] =	vst.idx.add.s32.msk $0xffff, v0  }
0x1ae: {  	v4 =	vld [tilespmem:$0x1B0];
	_ =	sdelay $0x7  }
0x1af: {  	[tilespmem:v4+s12+$0x0] =	vst.idx.add.s32.msk $0xffff, v0  }
0x1b0: {  	v4 =	vld [tilespmem:$0x1C0];
	_ =	sdelay $0x7  }
0x1b1: {  	[tilespmem:v4+s12+$0x0] =	vst.idx.add.s32.msk $0xffff, v0  }
0x1b2: {  	v4 =	vld [tilespmem:$0x1D0];
	_ =	sdelay $0x7  }
0x1b3: {  	[tilespmem:v4+s12+$0x0] =	vst.idx.add.s32.msk $0xffff, v0  }
0x1b4: {  	v4 =	vld [tilespmem:$0x1E0];
	_ =	sdelay $0x7  }
0x1b5: {  	[tilespmem:v4+s12+$0x0] =	vst.idx.add.s32.msk $0xffff, v0  }
0x1b6: {  	v4 =	vld [tilespmem:$0x1F0];
	_ =	sdelay $0x6  }
0x1b7: {  	p0 =	sne.s32 s10, $0x1  }
.Ltmp0:
0x1b8: {  	[tilespmem:v4+s12+$0x0] =	vst.idx.add.s32.msk $0xffff, v0;
	(pc) =	sbr.rel @p0 .LBB2_1-.Ltmp0, $4  }
0x1b9: {  	[hbm4b:s9+s31] =	stream.strided.scatter [tilespmem:s12], [sflag:$0x2], $0x2000, s0, s31, $0x38;
	[tilespmem:$0xA200] =	vst v63  }
0x1ba: {  	_ =	swait.ge [sflag:s11], $0x2000  }
0x1bb: {  	[sflag:s11] =	ssyncset.done $0x0  }
0x1bc: {  	s10 =	sadd.s32 $0xFFFFFFFF, s10;
	[sflag:s11] =	ssyncadd.s32 $0xFFFFE000  }
0x1bd: {  	_ =	sfence.sel $0x180000  }
0x1be: {  	[bflag:$0x0] =	sbarrier.arrive $0xFFFF  }
0x1bf: {  	_ =	strace $0x90000047  }
0x1c0: {  	s0 =	stileid.u32;
	[bflag:$0x2] =	sbarrier.arrive $0xFFFF  }
0x1c1: {  	p0 =	sne.s32 s0, $0x0;
	s0 =	rddreg [dreg:$0x2]  }
0x1c2: {  	s0 =	sadd.s32 @!p0 $0x100000, s0  }
0x1c3: {  	[sflag:s0] =	ssyncadd.tile.s32 @!p0 $0x1;
	_ =	shalt  }
.Lfunc_end2:
_tile_overlayer_lowered:
.L_overlay_start_2:
0x1c4: {  	(tag) =	ssettag $0x2  }
0x1c5: {  	s0 =	rddreg [dreg:$0x0];
	s2 =	stileid.u32  }
0x1c6: {  	s1 =	rddreg [dreg:$0x1];
	p0 =	sne.s32 s2, $0x0  }
0x1c7: {  	s3 =	rddreg [dreg:$0x2];
	[bflag:$0x3] =	sbarrier.arrive $0xFFFF;
	s2 =	simm.s32 @!p0 $0x1C02  }
0x1c8: {  	[timem:s3], [sflag:s2] =	dma.local @!p0 [hbm:s0], s1  }
0x1c9: {  	s0 =	simm.s32 @!p0 $0x2  }
0x1ca: {  	_ =	swait.ge @!p0 [sflag:s0], s1  }
0x1cb: {  	s1 =	ssub.s32 @!p0 $0x0, s1;
	[sflag:s0] =	ssyncset.done @!p0 $0x0  }
0x1cc: {  	[sflag:s0] =	ssyncadd.s32 @!p0 s1  }
0x1cd: {  	[bflag:$0x3] =	sbarrier.arrive $0xFFFF  }
0x1ce: {  	_ =	shalt  }

</sc_bundles>
